<compile_context>
chip_gen: v7x
topology: tpu7x:2x2x1
jax: 0.10.2.dev20260603
libtpu: 0.0.44.dev20260713+nightly
codegen_flags: <defaults>
</compile_context>

<pallas_src>
import functools

import jax
import jax.numpy as jnp
from jax import lax
from jax.experimental import pallas as pl
from jax.experimental.pallas import tpu as pltpu
from jax.experimental.pallas import tpu_sc as plsc

_NC = 2
_NS = 16
_NW = _NC * _NS
_L = 16
_B = 16384
_BPW = _B // _NW
_NCHUNK = 4
_CHUNK = _BPW // _NCHUNK


_C0 = 9.973753842373867e-06
_C1 = 0.9992355057001965
_C2 = -0.49023082511749744
_C3 = 0.2852728660812508
_C4 = -0.13158196262648691
_C5 = 0.030449037296768764


def _log1p_exp_neg_abs(x):
  t = jnp.exp(-jnp.abs(x))
  return _C0 + t * (_C1 + t * (_C2 + t * (_C3 + t * (_C4 + t * _C5))))


def _sc_fused(sids, qids, labels, ability, difficulty):
  mesh = plsc.VectorSubcoreMesh(
      core_axis_name="c", subcore_axis_name="s",
      num_cores=_NC, num_subcores=_NS)

  @functools.partial(
      pl.kernel,
      out_type=(
          jax.ShapeDtypeStruct((_B,), jnp.float32),
          jax.ShapeDtypeStruct((_NW * _L,), jnp.float32),
      ),
      mesh=mesh,
      scratch_types=[
          pltpu.VMEM((_BPW,), jnp.int32),
          pltpu.VMEM((_BPW,), jnp.int32),
          pltpu.VMEM((_BPW,), jnp.float32),
          pltpu.VMEM((_BPW,), jnp.float32),
          pltpu.VMEM((_BPW,), jnp.float32),
          pltpu.VMEM((_BPW,), jnp.float32),
          pltpu.VMEM((_L,), jnp.float32),
          pltpu.VMEM_SHARED((100000,), jnp.float32),
          [pltpu.SemaphoreType.DMA] * _NCHUNK,
          [pltpu.SemaphoreType.DMA] * _NCHUNK,
          pltpu.SemaphoreType.DMA,
          pltpu.SemaphoreType.DMA,
          pltpu.SemaphoreType.DMA,
          pltpu.SemaphoreType.DMA,
      ],
  )
  def fused_kernel(sid_hbm, qid_hbm, y_hbm, ab_hbm, df_hbm,
                   p_out, loss_out,
                   sidx_v, qidx_v, a_v, d_v, y_v, p_v, acc_v, df_sh,
                   sems_a, sems_d, sem_s, sem_q, sem_y, sem_p):
    cid = lax.axis_index("c")
    sid = lax.axis_index("s")
    wid = cid * _NS + sid
    base = wid * _BPW
    s_copy = pltpu.async_copy(sid_hbm.at[pl.ds(base, _BPW)], sidx_v, sem_s)
    q_copy = pltpu.async_copy(qid_hbm.at[pl.ds(base, _BPW)], qidx_v, sem_q)

    @pl.when(sid == 0)
    def _():
      pltpu.sync_copy(df_hbm, df_sh)

    a_copies = []
    d_copies = []
    s_copy.wait()
    for c in range(_NCHUNK):
      sl = pl.ds(c * _CHUNK, _CHUNK)
      a_copies.append(
          pltpu.async_copy(ab_hbm.at[sidx_v.at[sl]], a_v.at[sl], sems_a[c]))
    q_copy.wait()
    plsc.subcore_barrier()
    for c in range(_NCHUNK):
      sl = pl.ds(c * _CHUNK, _CHUNK)
      d_copies.append(
          pltpu.async_copy(df_sh.at[qidx_v.at[sl]], d_v.at[sl], sems_d[c]))
    y_copy = pltpu.async_copy(y_hbm.at[pl.ds(base, _BPW)], y_v, sem_y)
    def block(j, acc):
      sl = pl.ds(j * _L, _L)
      a = a_v[sl]
      d = d_v[sl]
      y = y_v[sl]
      sa = jnp.maximum(a, 0.0) + _log1p_exp_neg_abs(a)
      sd = jnp.maximum(d, 0.0) + _log1p_exp_neg_abs(d)
      p = sa - sd
      p_v[sl] = p
      return acc + (jnp.maximum(p, 0.0) - p * y + _log1p_exp_neg_abs(p))

    acc = jnp.zeros((_L,), jnp.float32)
    y_copy.wait()
    for c in range(_NCHUNK):
      a_copies[c].wait()
      d_copies[c].wait()
    acc = lax.fori_loop(0, _BPW // _L, block, acc)
    p_copies = [pltpu.async_copy(p_v, p_out.at[pl.ds(base, _BPW)], sem_p)]
    acc_v[...] = acc * (1.0 / _B)
    l_copy = pltpu.async_copy(acc_v, loss_out.at[pl.ds(wid * _L, _L)], sem_y)
    for cp in p_copies:
      cp.wait()
    l_copy.wait()

  return fused_kernel(sids, qids, labels, ability, difficulty)


def kernel(student_ids, question_ids, labels, ability, difficulty):
  sids = student_ids.astype(jnp.int32)
  qids = question_ids.astype(jnp.int32)
  p, loss_parts = _sc_fused(sids, qids, labels, ability, difficulty)
  return (jnp.sum(loss_parts), p)

# --- scband reference (transcript-rebuilt; emitter-appended) ---
"""Pipeline reference for scband-irt-4629974745855 (READ-ONLY COPY).

The authoritative reference and input builder live on the scoring server;
editing this copy changes nothing except your own understanding.
"""

import jax, jax.numpy as jnp
import numpy as np

NUM_STUDENTS = 1000000
NUM_QUESTIONS = 100000
BATCH = 16384


def setup_inputs(seed: int = 0) -> dict:
    key = jax.random.key(seed)
    k1, k2, k3, k4, k5 = jax.random.split(key, 5)
    student_ids = jax.random.randint(k1, (BATCH,), 0, NUM_STUDENTS, dtype=jnp.int64) if jax.config.jax_enable_x64 else jax.random.randint(k1, (BATCH,), 0, NUM_STUDENTS, dtype=jnp.int32)
    question_ids = jax.random.randint(k2, (BATCH,), 0, NUM_QUESTIONS, dtype=jnp.int32)
    labels = jax.random.uniform(k3, (BATCH,), dtype=jnp.float32)
    ability = 0.1 * jax.random.normal(k4, (NUM_STUDENTS,), dtype=jnp.float32)
    difficulty = 0.1 * jax.random.normal(k5, (NUM_QUESTIONS,), dtype=jnp.float32)
    return {
        'student_ids': student_ids,
        'question_ids': question_ids,
        'labels': labels,
        'ability': ability,
        'difficulty': difficulty,
    }


def reference(student_ids, question_ids, labels, ability, difficulty):
    a = jax.nn.softplus(jnp.take(ability, student_ids, axis=0))
    d = jax.nn.softplus(jnp.take(difficulty, question_ids, axis=0))
    predictions = a - d
    # BCEWithLogitsLoss (mean), numerically stable form:
    # max(x, 0) - x*y + log(1 + exp(-|x|))
    per_elem = jnp.maximum(predictions, 0.0) - predictions * labels + jnp.log1p(jnp.exp(-jnp.abs(predictions)))
    avg_loss = jnp.mean(per_elem)
    return (avg_loss, predictions)

if __name__ == "__main__":
    import jax
    _d = setup_inputs()
    print(jax.jit(kernel)(*tuple(_d.values())))

</pallas_src>

<mosaic_0001>
#map = affine_map<(d0, d1) -> (0)>
module attributes {stable_mosaic.version = 14 : i64} {
  func.func @fused_kernel(%arg0: i32, %arg1: i32, %arg2: memref<16384xi32, #tpu.memory_space<hbm>>, %arg3: memref<16384xi32, #tpu.memory_space<hbm>>, %arg4: memref<16384xf32, #tpu.memory_space<hbm>>, %arg5: memref<1000000xf32, #tpu.memory_space<hbm>>, %arg6: memref<100000xf32, #tpu.memory_space<hbm>>, %arg7: memref<16384xf32, #tpu.memory_space<hbm>>, %arg8: memref<512xf32, #tpu.memory_space<hbm>>, %arg9: memref<512xi32, #tpu.memory_space<vmem>>, %arg10: memref<512xi32, #tpu.memory_space<vmem>>, %arg11: memref<512xf32, #tpu.memory_space<vmem>>, %arg12: memref<512xf32, #tpu.memory_space<vmem>>, %arg13: memref<512xf32, #tpu.memory_space<vmem>>, %arg14: memref<512xf32, #tpu.memory_space<vmem>>, %arg15: memref<16xf32, #tpu.memory_space<vmem>>, %arg16: memref<100000xf32, #tpu.memory_space<vmem_shared>>, %arg17: memref<!tpu.dma_semaphore, #tpu.memory_space<semaphore_mem>>, %arg18: memref<!tpu.dma_semaphore, #tpu.memory_space<semaphore_mem>>, %arg19: memref<!tpu.dma_semaphore, #tpu.memory_space<semaphore_mem>>, %arg20: memref<!tpu.dma_semaphore, #tpu.memory_space<semaphore_mem>>, %arg21: memref<!tpu.dma_semaphore, #tpu.memory_space<semaphore_mem>>, %arg22: memref<!tpu.dma_semaphore, #tpu.memory_space<semaphore_mem>>, %arg23: memref<!tpu.dma_semaphore, #tpu.memory_space<semaphore_mem>>, %arg24: memref<!tpu.dma_semaphore, #tpu.memory_space<semaphore_mem>>, %arg25: memref<!tpu.dma_semaphore, #tpu.memory_space<semaphore_mem>>, %arg26: memref<!tpu.dma_semaphore, #tpu.memory_space<semaphore_mem>>, %arg27: memref<!tpu.dma_semaphore, #tpu.memory_space<semaphore_mem>>, %arg28: memref<!tpu.dma_semaphore, #tpu.memory_space<semaphore_mem>>) attributes {dimension_semantics = [#tpu.dimension_semantics<core_parallel>, #tpu.dimension_semantics<subcore_parallel>], iteration_bounds = array<i64: 2, 16>, scalar_prefetch = 0 : i64, scratch_operands = 20 : i64, tpu.core_type = #tpu.core_type<sc_vector_subcore>, window_params = [{transform_indices = #map}, {transform_indices = #map}, {transform_indices = #map}, {transform_indices = #map}, {transform_indices = #map}, {transform_indices = #map}, {transform_indices = #map}]} {
    %mul3A = arith.constant 16 : i32
    %mul3A_0 = arith.muli %arg0, %mul3A : i32
    %add3A = arith.addi %mul3A_0, %arg1 : i32
    %mul3A_1 = arith.constant 512 : i32
    %mul3A_2 = arith.muli %add3A, %mul3A_1 : i32
    %dma_start3A = tpu.memref_slice %arg2[%mul3A_2] : memref<16384xi32, #tpu.memory_space<hbm>> -> memref<512xi32, #tpu.memory_space<hbm>>
    %dma_start3A_3 = tpu.memref_slice %arg2[%mul3A_2] : memref<16384xi32, #tpu.memory_space<hbm>> -> memref<512xi32, #tpu.memory_space<hbm>>
    tpu.enqueue_dma source(%dma_start3A_3 : memref<512xi32, #tpu.memory_space<hbm>>) target(%arg9 : memref<512xi32, #tpu.memory_space<vmem>>) target_semaphore(%arg25 : memref<!tpu.dma_semaphore, #tpu.memory_space<semaphore_mem>>)
    %dma_start3A_4 = tpu.memref_slice %arg3[%mul3A_2] : memref<16384xi32, #tpu.memory_space<hbm>> -> memref<512xi32, #tpu.memory_space<hbm>>
    %dma_start3A_5 = tpu.memref_slice %arg3[%mul3A_2] : memref<16384xi32, #tpu.memory_space<hbm>> -> memref<512xi32, #tpu.memory_space<hbm>>
    tpu.enqueue_dma source(%dma_start3A_5 : memref<512xi32, #tpu.memory_space<hbm>>) target(%arg10 : memref<512xi32, #tpu.memory_space<vmem>>) target_semaphore(%arg26 : memref<!tpu.dma_semaphore, #tpu.memory_space<semaphore_mem>>)
    %eq3A = arith.constant 0 : i32
    %eq3A_6 = arith.cmpi eq, %arg1, %eq3A : i32
    %convert_element_type3A = arith.extui %eq3A_6 : i1 to i32
    %cond3A = arith.constant 0 : i32
    %cond3A_7 = arith.cmpi ne, %convert_element_type3A, %cond3A : i32
    scf.if %cond3A_7 {
      "tpu.region"() ({
        %run_scoped3A = tpu.sem_alloc : memref<!tpu.dma_semaphore, #tpu.memory_space<semaphore_mem>>
        tpu.enqueue_dma source(%arg6 : memref<100000xf32, #tpu.memory_space<hbm>>) target(%arg16 : memref<100000xf32, #tpu.memory_space<vmem_shared>>) target_semaphore(%run_scoped3A : memref<!tpu.dma_semaphore, #tpu.memory_space<semaphore_mem>>)
        tpu.wait_dma2 semaphore(%run_scoped3A : memref<!tpu.dma_semaphore, #tpu.memory_space<semaphore_mem>>) src(%arg6 : memref<100000xf32, #tpu.memory_space<hbm>>) dst(%arg16 : memref<100000xf32, #tpu.memory_space<vmem_shared>>)
        tpu.yield
      }) : () -> ()
    } else {
    }
    %dma_wait3A = tpu.memref_slice %arg2[%mul3A_2] : memref<16384xi32, #tpu.memory_space<hbm>> -> memref<512xi32, #tpu.memory_space<hbm>>
    %dma_wait3A_8 = tpu.memref_slice %arg2[%mul3A_2] : memref<16384xi32, #tpu.memory_space<hbm>> -> memref<512xi32, #tpu.memory_space<hbm>>
    tpu.wait_dma2 semaphore(%arg25 : memref<!tpu.dma_semaphore, #tpu.memory_space<semaphore_mem>>) src(%dma_wait3A_8 : memref<512xi32, #tpu.memory_space<hbm>>) dst(%arg9 : memref<512xi32, #tpu.memory_space<vmem>>)
    %dma_start3A_9 = arith.constant 0 : i32
    %dma_start3A_10 = tpu.memref_slice %arg11[%dma_start3A_9] : memref<512xf32, #tpu.memory_space<vmem>> -> memref<128xf32, #tpu.memory_space<vmem>>
    %dma_start3A_11 = arith.constant 0 : i32
    %dma_start3A_12 = tpu.memref_slice %arg9[%dma_start3A_11] : memref<512xi32, #tpu.memory_space<vmem>> -> memref<128xi32, #tpu.memory_space<vmem>>
    %dma_start3A_13 = arith.constant 0 : i32
    %dma_start3A_14 = tpu.memref_slice %arg5[%dma_start3A_13] : memref<1000000xf32, #tpu.memory_space<hbm>> -> memref<1000000xf32, #tpu.memory_space<hbm>>
    tpu.enqueue_indirect_dma source(%dma_start3A_14 : memref<1000000xf32, #tpu.memory_space<hbm>>) target(%dma_start3A_10 : memref<128xf32, #tpu.memory_space<vmem>>) offsets(%dma_start3A_12 : memref<128xi32, #tpu.memory_space<vmem>>) semaphore(%arg17 : memref<!tpu.dma_semaphore, #tpu.memory_space<semaphore_mem>>)
    %dma_start3A_15 = arith.constant 128 : i32
    %dma_start3A_16 = tpu.memref_slice %arg11[%dma_start3A_15] : memref<512xf32, #tpu.memory_space<vmem>> -> memref<128xf32, #tpu.memory_space<vmem>>
    %dma_start3A_17 = arith.constant 128 : i32
    %dma_start3A_18 = tpu.memref_slice %arg9[%dma_start3A_17] : memref<512xi32, #tpu.memory_space<vmem>> -> memref<128xi32, #tpu.memory_space<vmem>>
    %dma_start3A_19 = arith.constant 0 : i32
    %dma_start3A_20 = tpu.memref_slice %arg5[%dma_start3A_19] : memref<1000000xf32, #tpu.memory_space<hbm>> -> memref<1000000xf32, #tpu.memory_space<hbm>>
    tpu.enqueue_indirect_dma source(%dma_start3A_20 : memref<1000000xf32, #tpu.memory_space<hbm>>) target(%dma_start3A_16 : memref<128xf32, #tpu.memory_space<vmem>>) offsets(%dma_start3A_18 : memref<128xi32, #tpu.memory_space<vmem>>) semaphore(%arg18 : memref<!tpu.dma_semaphore, #tpu.memory_space<semaphore_mem>>)
    %dma_start3A_21 = arith.constant 256 : i32
    %dma_start3A_22 = tpu.memref_slice %arg11[%dma_start3A_21] : memref<512xf32, #tpu.memory_space<vmem>> -> memref<128xf32, #tpu.memory_space<vmem>>
    %dma_start3A_23 = arith.constant 256 : i32
    %dma_start3A_24 = tpu.memref_slice %arg9[%dma_start3A_23] : memref<512xi32, #tpu.memory_space<vmem>> -> memref<128xi32, #tpu.memory_space<vmem>>
    %dma_start3A_25 = arith.constant 0 : i32
    %dma_start3A_26 = tpu.memref_slice %arg5[%dma_start3A_25] : memref<1000000xf32, #tpu.memory_space<hbm>> -> memref<1000000xf32, #tpu.memory_space<hbm>>
    tpu.enqueue_indirect_dma source(%dma_start3A_26 : memref<1000000xf32, #tpu.memory_space<hbm>>) target(%dma_start3A_22 : memref<128xf32, #tpu.memory_space<vmem>>) offsets(%dma_start3A_24 : memref<128xi32, #tpu.memory_space<vmem>>) semaphore(%arg19 : memref<!tpu.dma_semaphore, #tpu.memory_space<semaphore_mem>>)
    %dma_start3A_27 = arith.constant 384 : i32
    %dma_start3A_28 = tpu.memref_slice %arg11[%dma_start3A_27] : memref<512xf32, #tpu.memory_space<vmem>> -> memref<128xf32, #tpu.memory_space<vmem>>
    %dma_start3A_29 = arith.constant 384 : i32
    %dma_start3A_30 = tpu.memref_slice %arg9[%dma_start3A_29] : memref<512xi32, #tpu.memory_space<vmem>> -> memref<128xi32, #tpu.memory_space<vmem>>
    %dma_start3A_31 = arith.constant 0 : i32
    %dma_start3A_32 = tpu.memref_slice %arg5[%dma_start3A_31] : memref<1000000xf32, #tpu.memory_space<hbm>> -> memref<1000000xf32, #tpu.memory_space<hbm>>
    tpu.enqueue_indirect_dma source(%dma_start3A_32 : memref<1000000xf32, #tpu.memory_space<hbm>>) target(%dma_start3A_28 : memref<128xf32, #tpu.memory_space<vmem>>) offsets(%dma_start3A_30 : memref<128xi32, #tpu.memory_space<vmem>>) semaphore(%arg20 : memref<!tpu.dma_semaphore, #tpu.memory_space<semaphore_mem>>)
    %dma_wait3A_33 = tpu.memref_slice %arg3[%mul3A_2] : memref<16384xi32, #tpu.memory_space<hbm>> -> memref<512xi32, #tpu.memory_space<hbm>>
    %dma_wait3A_34 = tpu.memref_slice %arg3[%mul3A_2] : memref<16384xi32, #tpu.memory_space<hbm>> -> memref<512xi32, #tpu.memory_space<hbm>>
    tpu.wait_dma2 semaphore(%arg26 : memref<!tpu.dma_semaphore, #tpu.memory_space<semaphore_mem>>) src(%dma_wait3A_34 : memref<512xi32, #tpu.memory_space<hbm>>) dst(%arg10 : memref<512xi32, #tpu.memory_space<vmem>>)
    %barrier3A = arith.constant 0 : index
    tpu.barrier barrier_id(%barrier3A)
    %dma_start3A_35 = arith.constant 0 : i32
    %dma_start3A_36 = tpu.memref_slice %arg12[%dma_start3A_35] : memref<512xf32, #tpu.memory_space<vmem>> -> memref<128xf32, #tpu.memory_space<vmem>>
    %dma_start3A_37 = arith.constant 0 : i32
    %dma_start3A_38 = tpu.memref_slice %arg10[%dma_start3A_37] : memref<512xi32, #tpu.memory_space<vmem>> -> memref<128xi32, #tpu.memory_space<vmem>>
    %dma_start3A_39 = arith.constant 0 : i32
    %dma_start3A_40 = tpu.memref_slice %arg16[%dma_start3A_39] : memref<100000xf32, #tpu.memory_space<vmem_shared>> -> memref<100000xf32, #tpu.memory_space<vmem_shared>>
    tpu.enqueue_indirect_dma source(%dma_start3A_40 : memref<100000xf32, #tpu.memory_space<vmem_shared>>) target(%dma_start3A_36 : memref<128xf32, #tpu.memory_space<vmem>>) offsets(%dma_start3A_38 : memref<128xi32, #tpu.memory_space<vmem>>) semaphore(%arg21 : memref<!tpu.dma_semaphore, #tpu.memory_space<semaphore_mem>>)
    %dma_start3A_41 = arith.constant 128 : i32
    %dma_start3A_42 = tpu.memref_slice %arg12[%dma_start3A_41] : memref<512xf32, #tpu.memory_space<vmem>> -> memref<128xf32, #tpu.memory_space<vmem>>
    %dma_start3A_43 = arith.constant 128 : i32
    %dma_start3A_44 = tpu.memref_slice %arg10[%dma_start3A_43] : memref<512xi32, #tpu.memory_space<vmem>> -> memref<128xi32, #tpu.memory_space<vmem>>
    %dma_start3A_45 = arith.constant 0 : i32
    %dma_start3A_46 = tpu.memref_slice %arg16[%dma_start3A_45] : memref<100000xf32, #tpu.memory_space<vmem_shared>> -> memref<100000xf32, #tpu.memory_space<vmem_shared>>
    tpu.enqueue_indirect_dma source(%dma_start3A_46 : memref<100000xf32, #tpu.memory_space<vmem_shared>>) target(%dma_start3A_42 : memref<128xf32, #tpu.memory_space<vmem>>) offsets(%dma_start3A_44 : memref<128xi32, #tpu.memory_space<vmem>>) semaphore(%arg22 : memref<!tpu.dma_semaphore, #tpu.memory_space<semaphore_mem>>)
    %dma_start3A_47 = arith.constant 256 : i32
    %dma_start3A_48 = tpu.memref_slice %arg12[%dma_start3A_47] : memref<512xf32, #tpu.memory_space<vmem>> -> memref<128xf32, #tpu.memory_space<vmem>>
    %dma_start3A_49 = arith.constant 256 : i32
    %dma_start3A_50 = tpu.memref_slice %arg10[%dma_start3A_49] : memref<512xi32, #tpu.memory_space<vmem>> -> memref<128xi32, #tpu.memory_space<vmem>>
    %dma_start3A_51 = arith.constant 0 : i32
    %dma_start3A_52 = tpu.memref_slice %arg16[%dma_start3A_51] : memref<100000xf32, #tpu.memory_space<vmem_shared>> -> memref<100000xf32, #tpu.memory_space<vmem_shared>>
    tpu.enqueue_indirect_dma source(%dma_start3A_52 : memref<100000xf32, #tpu.memory_space<vmem_shared>>) target(%dma_start3A_48 : memref<128xf32, #tpu.memory_space<vmem>>) offsets(%dma_start3A_50 : memref<128xi32, #tpu.memory_space<vmem>>) semaphore(%arg23 : memref<!tpu.dma_semaphore, #tpu.memory_space<semaphore_mem>>)
    %dma_start3A_53 = arith.constant 384 : i32
    %dma_start3A_54 = tpu.memref_slice %arg12[%dma_start3A_53] : memref<512xf32, #tpu.memory_space<vmem>> -> memref<128xf32, #tpu.memory_space<vmem>>
    %dma_start3A_55 = arith.constant 384 : i32
    %dma_start3A_56 = tpu.memref_slice %arg10[%dma_start3A_55] : memref<512xi32, #tpu.memory_space<vmem>> -> memref<128xi32, #tpu.memory_space<vmem>>
    %dma_start3A_57 = arith.constant 0 : i32
    %dma_start3A_58 = tpu.memref_slice %arg16[%dma_start3A_57] : memref<100000xf32, #tpu.memory_space<vmem_shared>> -> memref<100000xf32, #tpu.memory_space<vmem_shared>>
    tpu.enqueue_indirect_dma source(%dma_start3A_58 : memref<100000xf32, #tpu.memory_space<vmem_shared>>) target(%dma_start3A_54 : memref<128xf32, #tpu.memory_space<vmem>>) offsets(%dma_start3A_56 : memref<128xi32, #tpu.memory_space<vmem>>) semaphore(%arg24 : memref<!tpu.dma_semaphore, #tpu.memory_space<semaphore_mem>>)
    %dma_start3A_59 = tpu.memref_slice %arg4[%mul3A_2] : memref<16384xf32, #tpu.memory_space<hbm>> -> memref<512xf32, #tpu.memory_space<hbm>>
    %dma_start3A_60 = tpu.memref_slice %arg4[%mul3A_2] : memref<16384xf32, #tpu.memory_space<hbm>> -> memref<512xf32, #tpu.memory_space<hbm>>
    tpu.enqueue_dma source(%dma_start3A_60 : memref<512xf32, #tpu.memory_space<hbm>>) target(%arg13 : memref<512xf32, #tpu.memory_space<vmem>>) target_semaphore(%arg27 : memref<!tpu.dma_semaphore, #tpu.memory_space<semaphore_mem>>)
    %broadcast_in_dim3A = arith.constant 0.000000e+00 : f32
    %broadcast_in_dim3A_61 = vector.broadcast %broadcast_in_dim3A : f32 to vector<16xf32>
    %dma_wait3A_62 = tpu.memref_slice %arg4[%mul3A_2] : memref<16384xf32, #tpu.memory_space<hbm>> -> memref<512xf32, #tpu.memory_space<hbm>>
    %dma_wait3A_63 = tpu.memref_slice %arg4[%mul3A_2] : memref<16384xf32, #tpu.memory_space<hbm>> -> memref<512xf32, #tpu.memory_space<hbm>>
    tpu.wait_dma2 semaphore(%arg27 : memref<!tpu.dma_semaphore, #tpu.memory_space<semaphore_mem>>) src(%dma_wait3A_63 : memref<512xf32, #tpu.memory_space<hbm>>) dst(%arg13 : memref<512xf32, #tpu.memory_space<vmem>>)
    %dma_wait3A_64 = arith.constant 0 : i32
    %dma_wait3A_65 = tpu.memref_slice %arg11[%dma_wait3A_64] : memref<512xf32, #tpu.memory_space<vmem>> -> memref<128xf32, #tpu.memory_space<vmem>>
    %dma_wait3A_66 = arith.constant 0 : i32
    %dma_wait3A_67 = tpu.memref_slice %arg9[%dma_wait3A_66] : memref<512xi32, #tpu.memory_space<vmem>> -> memref<128xi32, #tpu.memory_space<vmem>>
    %dma_wait3A_68 = arith.constant 0 : i32
    %dma_wait3A_69 = tpu.memref_slice %arg5[%dma_wait3A_68] : memref<1000000xf32, #tpu.memory_space<hbm>> -> memref<1000000xf32, #tpu.memory_space<hbm>>
    tpu.wait_indirect_dma semaphore(%arg17 : memref<!tpu.dma_semaphore, #tpu.memory_space<semaphore_mem>>) src(%dma_wait3A_69 : memref<1000000xf32, #tpu.memory_space<hbm>>) dst(%dma_wait3A_65 : memref<128xf32, #tpu.memory_space<vmem>>)
    %dma_wait3A_70 = arith.constant 0 : i32
    %dma_wait3A_71 = tpu.memref_slice %arg12[%dma_wait3A_70] : memref<512xf32, #tpu.memory_space<vmem>> -> memref<128xf32, #tpu.memory_space<vmem>>
    %dma_wait3A_72 = arith.constant 0 : i32
    %dma_wait3A_73 = tpu.memref_slice %arg10[%dma_wait3A_72] : memref<512xi32, #tpu.memory_space<vmem>> -> memref<128xi32, #tpu.memory_space<vmem>>
    %dma_wait3A_74 = arith.constant 0 : i32
    %dma_wait3A_75 = tpu.memref_slice %arg16[%dma_wait3A_74] : memref<100000xf32, #tpu.memory_space<vmem_shared>> -> memref<100000xf32, #tpu.memory_space<vmem_shared>>
    tpu.wait_indirect_dma semaphore(%arg21 : memref<!tpu.dma_semaphore, #tpu.memory_space<semaphore_mem>>) src(%dma_wait3A_75 : memref<100000xf32, #tpu.memory_space<vmem_shared>>) dst(%dma_wait3A_71 : memref<128xf32, #tpu.memory_space<vmem>>)
    %dma_wait3A_76 = arith.constant 128 : i32
    %dma_wait3A_77 = tpu.memref_slice %arg11[%dma_wait3A_76] : memref<512xf32, #tpu.memory_space<vmem>> -> memref<128xf32, #tpu.memory_space<vmem>>
    %dma_wait3A_78 = arith.constant 128 : i32
    %dma_wait3A_79 = tpu.memref_slice %arg9[%dma_wait3A_78] : memref<512xi32, #tpu.memory_space<vmem>> -> memref<128xi32, #tpu.memory_space<vmem>>
    %dma_wait3A_80 = arith.constant 0 : i32
    %dma_wait3A_81 = tpu.memref_slice %arg5[%dma_wait3A_80] : memref<1000000xf32, #tpu.memory_space<hbm>> -> memref<1000000xf32, #tpu.memory_space<hbm>>
    tpu.wait_indirect_dma semaphore(%arg18 : memref<!tpu.dma_semaphore, #tpu.memory_space<semaphore_mem>>) src(%dma_wait3A_81 : memref<1000000xf32, #tpu.memory_space<hbm>>) dst(%dma_wait3A_77 : memref<128xf32, #tpu.memory_space<vmem>>)
    %dma_wait3A_82 = arith.constant 128 : i32
    %dma_wait3A_83 = tpu.memref_slice %arg12[%dma_wait3A_82] : memref<512xf32, #tpu.memory_space<vmem>> -> memref<128xf32, #tpu.memory_space<vmem>>
    %dma_wait3A_84 = arith.constant 128 : i32
    %dma_wait3A_85 = tpu.memref_slice %arg10[%dma_wait3A_84] : memref<512xi32, #tpu.memory_space<vmem>> -> memref<128xi32, #tpu.memory_space<vmem>>
    %dma_wait3A_86 = arith.constant 0 : i32
    %dma_wait3A_87 = tpu.memref_slice %arg16[%dma_wait3A_86] : memref<100000xf32, #tpu.memory_space<vmem_shared>> -> memref<100000xf32, #tpu.memory_space<vmem_shared>>
    tpu.wait_indirect_dma semaphore(%arg22 : memref<!tpu.dma_semaphore, #tpu.memory_space<semaphore_mem>>) src(%dma_wait3A_87 : memref<100000xf32, #tpu.memory_space<vmem_shared>>) dst(%dma_wait3A_83 : memref<128xf32, #tpu.memory_space<vmem>>)
    %dma_wait3A_88 = arith.constant 256 : i32
    %dma_wait3A_89 = tpu.memref_slice %arg11[%dma_wait3A_88] : memref<512xf32, #tpu.memory_space<vmem>> -> memref<128xf32, #tpu.memory_space<vmem>>
    %dma_wait3A_90 = arith.constant 256 : i32
    %dma_wait3A_91 = tpu.memref_slice %arg9[%dma_wait3A_90] : memref<512xi32, #tpu.memory_space<vmem>> -> memref<128xi32, #tpu.memory_space<vmem>>
    %dma_wait3A_92 = arith.constant 0 : i32
    %dma_wait3A_93 = tpu.memref_slice %arg5[%dma_wait3A_92] : memref<1000000xf32, #tpu.memory_space<hbm>> -> memref<1000000xf32, #tpu.memory_space<hbm>>
    tpu.wait_indirect_dma semaphore(%arg19 : memref<!tpu.dma_semaphore, #tpu.memory_space<semaphore_mem>>) src(%dma_wait3A_93 : memref<1000000xf32, #tpu.memory_space<hbm>>) dst(%dma_wait3A_89 : memref<128xf32, #tpu.memory_space<vmem>>)
    %dma_wait3A_94 = arith.constant 256 : i32
    %dma_wait3A_95 = tpu.memref_slice %arg12[%dma_wait3A_94] : memref<512xf32, #tpu.memory_space<vmem>> -> memref<128xf32, #tpu.memory_space<vmem>>
    %dma_wait3A_96 = arith.constant 256 : i32
    %dma_wait3A_97 = tpu.memref_slice %arg10[%dma_wait3A_96] : memref<512xi32, #tpu.memory_space<vmem>> -> memref<128xi32, #tpu.memory_space<vmem>>
    %dma_wait3A_98 = arith.constant 0 : i32
    %dma_wait3A_99 = tpu.memref_slice %arg16[%dma_wait3A_98] : memref<100000xf32, #tpu.memory_space<vmem_shared>> -> memref<100000xf32, #tpu.memory_space<vmem_shared>>
    tpu.wait_indirect_dma semaphore(%arg23 : memref<!tpu.dma_semaphore, #tpu.memory_space<semaphore_mem>>) src(%dma_wait3A_99 : memref<100000xf32, #tpu.memory_space<vmem_shared>>) dst(%dma_wait3A_95 : memref<128xf32, #tpu.memory_space<vmem>>)
    %dma_wait3A_100 = arith.constant 384 : i32
    %dma_wait3A_101 = tpu.memref_slice %arg11[%dma_wait3A_100] : memref<512xf32, #tpu.memory_space<vmem>> -> memref<128xf32, #tpu.memory_space<vmem>>
    %dma_wait3A_102 = arith.constant 384 : i32
    %dma_wait3A_103 = tpu.memref_slice %arg9[%dma_wait3A_102] : memref<512xi32, #tpu.memory_space<vmem>> -> memref<128xi32, #tpu.memory_space<vmem>>
    %dma_wait3A_104 = arith.constant 0 : i32
    %dma_wait3A_105 = tpu.memref_slice %arg5[%dma_wait3A_104] : memref<1000000xf32, #tpu.memory_space<hbm>> -> memref<1000000xf32, #tpu.memory_space<hbm>>
    tpu.wait_indirect_dma semaphore(%arg20 : memref<!tpu.dma_semaphore, #tpu.memory_space<semaphore_mem>>) src(%dma_wait3A_105 : memref<1000000xf32, #tpu.memory_space<hbm>>) dst(%dma_wait3A_101 : memref<128xf32, #tpu.memory_space<vmem>>)
    %dma_wait3A_106 = arith.constant 384 : i32
    %dma_wait3A_107 = tpu.memref_slice %arg12[%dma_wait3A_106] : memref<512xf32, #tpu.memory_space<vmem>> -> memref<128xf32, #tpu.memory_space<vmem>>
    %dma_wait3A_108 = arith.constant 384 : i32
    %dma_wait3A_109 = tpu.memref_slice %arg10[%dma_wait3A_108] : memref<512xi32, #tpu.memory_space<vmem>> -> memref<128xi32, #tpu.memory_space<vmem>>
    %dma_wait3A_110 = arith.constant 0 : i32
    %dma_wait3A_111 = tpu.memref_slice %arg16[%dma_wait3A_110] : memref<100000xf32, #tpu.memory_space<vmem_shared>> -> memref<100000xf32, #tpu.memory_space<vmem_shared>>
    tpu.wait_indirect_dma semaphore(%arg24 : memref<!tpu.dma_semaphore, #tpu.memory_space<semaphore_mem>>) src(%dma_wait3A_111 : memref<100000xf32, #tpu.memory_space<vmem_shared>>) dst(%dma_wait3A_107 : memref<128xf32, #tpu.memory_space<vmem>>)
    %scan3A = arith.constant 0 : i32
    %scan3A_112 = arith.constant 32 : i32
    %scan3A_113 = arith.addi %scan3A, %scan3A_112 : i32
    %scan3A_114 = arith.constant 1 : i32
    %scan3A_115 = scf.for %scan3A_133 = %scan3A to %scan3A_113 step %scan3A_114 iter_args(%scan3A_134 = %broadcast_in_dim3A_61) -> (vector<16xf32>)  : i32 {
      %mul3A_135 = arith.constant 16 : i32
      %mul3A_136 = arith.muli %scan3A_133, %mul3A_135 : i32
      %get3A = arith.index_cast %mul3A_136 : i32 to index
      %get3A_137 = tpu.vector_load %arg11[%get3A] {strides = array<i32>} : memref<512xf32, #tpu.memory_space<vmem>>, vector<16xf32>,
      %get3A_138 = vector.shape_cast %get3A_137 : vector<16xf32> to vector<16xf32>
      %get3A_139 = arith.index_cast %mul3A_136 : i32 to index
      %get3A_140 = tpu.vector_load %arg12[%get3A_139] {strides = array<i32>} : memref<512xf32, #tpu.memory_space<vmem>>, vector<16xf32>,
      %get3A_141 = vector.shape_cast %get3A_140 : vector<16xf32> to vector<16xf32>
      %get3A_142 = arith.index_cast %mul3A_136 : i32 to index
      %get3A_143 = tpu.vector_load %arg13[%get3A_142] {strides = array<i32>} : memref<512xf32, #tpu.memory_space<vmem>>, vector<16xf32>,
      %get3A_144 = vector.shape_cast %get3A_143 : vector<16xf32> to vector<16xf32>
      %max3A = arith.constant 0.000000e+00 : f32
      %max3A_145 = vector.broadcast %max3A : f32 to vector<16xf32>
      %max3A_146 = arith.maximumf %get3A_138, %max3A_145 : vector<16xf32>
      %abs3A = math.absf %get3A_138 : vector<16xf32>
      %neg3A = arith.constant 0.000000e+00 : f32
      %neg3A_147 = vector.broadcast %neg3A : f32 to vector<16xf32>
      %neg3A_148 = arith.subf %neg3A_147, %abs3A : vector<16xf32>
      %exp3A = math.exp %neg3A_148 : vector<16xf32>
      %mul3A_149 = arith.constant 0.0304490365 : f32
      %mul3A_150 = vector.broadcast %mul3A_149 : f32 to vector<16xf32>
      %mul3A_151 = arith.mulf %exp3A, %mul3A_150 : vector<16xf32>
      %add3A_152 = arith.constant -0.131581962 : f32
      %add3A_153 = vector.broadcast %add3A_152 : f32 to vector<16xf32>
      %add3A_154 = arith.addf %add3A_153, %mul3A_151 : vector<16xf32>
      %mul3A_155 = arith.mulf %exp3A, %add3A_154 : vector<16xf32>
      %add3A_156 = arith.constant 0.285272866 : f32
      %add3A_157 = vector.broadcast %add3A_156 : f32 to vector<16xf32>
      %add3A_158 = arith.addf %add3A_157, %mul3A_155 : vector<16xf32>
      %mul3A_159 = arith.mulf %exp3A, %add3A_158 : vector<16xf32>
      %add3A_160 = arith.constant -0.490230829 : f32
      %add3A_161 = vector.broadcast %add3A_160 : f32 to vector<16xf32>
      %add3A_162 = arith.addf %add3A_161, %mul3A_159 : vector<16xf32>
      %mul3A_163 = arith.mulf %exp3A, %add3A_162 : vector<16xf32>
      %add3A_164 = arith.constant 0.99923551 : f32
      %add3A_165 = vector.broadcast %add3A_164 : f32 to vector<16xf32>
      %add3A_166 = arith.addf %add3A_165, %mul3A_163 : vector<16xf32>
      %mul3A_167 = arith.mulf %exp3A, %add3A_166 : vector<16xf32>
      %add3A_168 = arith.constant 9.97375355E-6 : f32
      %add3A_169 = vector.broadcast %add3A_168 : f32 to vector<16xf32>
      %add3A_170 = arith.addf %add3A_169, %mul3A_167 : vector<16xf32>
      %add3A_171 = arith.addf %max3A_146, %add3A_170 : vector<16xf32>
      %max3A_172 = arith.constant 0.000000e+00 : f32
      %max3A_173 = vector.broadcast %max3A_172 : f32 to vector<16xf32>
      %max3A_174 = arith.maximumf %get3A_141, %max3A_173 : vector<16xf32>
      %abs3A_175 = math.absf %get3A_141 : vector<16xf32>
      %neg3A_176 = arith.constant 0.000000e+00 : f32
      %neg3A_177 = vector.broadcast %neg3A_176 : f32 to vector<16xf32>
      %neg3A_178 = arith.subf %neg3A_177, %abs3A_175 : vector<16xf32>
      %exp3A_179 = math.exp %neg3A_178 : vector<16xf32>
      %mul3A_180 = arith.constant 0.0304490365 : f32
      %mul3A_181 = vector.broadcast %mul3A_180 : f32 to vector<16xf32>
      %mul3A_182 = arith.mulf %exp3A_179, %mul3A_181 : vector<16xf32>
      %add3A_183 = arith.constant -0.131581962 : f32
      %add3A_184 = vector.broadcast %add3A_183 : f32 to vector<16xf32>
      %add3A_185 = arith.addf %add3A_184, %mul3A_182 : vector<16xf32>
      %mul3A_186 = arith.mulf %exp3A_179, %add3A_185 : vector<16xf32>
      %add3A_187 = arith.constant 0.285272866 : f32
      %add3A_188 = vector.broadcast %add3A_187 : f32 to vector<16xf32>
      %add3A_189 = arith.addf %add3A_188, %mul3A_186 : vector<16xf32>
      %mul3A_190 = arith.mulf %exp3A_179, %add3A_189 : vector<16xf32>
      %add3A_191 = arith.constant -0.490230829 : f32
      %add3A_192 = vector.broadcast %add3A_191 : f32 to vector<16xf32>
      %add3A_193 = arith.addf %add3A_192, %mul3A_190 : vector<16xf32>
      %mul3A_194 = arith.mulf %exp3A_179, %add3A_193 : vector<16xf32>
      %add3A_195 = arith.constant 0.99923551 : f32
      %add3A_196 = vector.broadcast %add3A_195 : f32 to vector<16xf32>
      %add3A_197 = arith.addf %add3A_196, %mul3A_194 : vector<16xf32>
      %mul3A_198 = arith.mulf %exp3A_179, %add3A_197 : vector<16xf32>
      %add3A_199 = arith.constant 9.97375355E-6 : f32
      %add3A_200 = vector.broadcast %add3A_199 : f32 to vector<16xf32>
      %add3A_201 = arith.addf %add3A_200, %mul3A_198 : vector<16xf32>
      %add3A_202 = arith.addf %max3A_174, %add3A_201 : vector<16xf32>
      %sub3A = arith.subf %add3A_171, %add3A_202 : vector<16xf32>
      %swap3A_203 = arith.index_cast %mul3A_136 : i32 to index
      %swap3A_204 = tpu.vector_load %arg14[%swap3A_203] {strides = array<i32>} : memref<512xf32, #tpu.memory_space<vmem>>, vector<16xf32>,
      %swap3A_205 = vector.shape_cast %swap3A_204 : vector<16xf32> to vector<16xf32>
      %swap3A_206 = vector.shape_cast %sub3A : vector<16xf32> to vector<16xf32>
      tpu.vector_store %arg14[%swap3A_203], %swap3A_206 {strides = array<i32>} : memref<512xf32, #tpu.memory_space<vmem>>, vector<16xf32>,
      %max3A_207 = arith.constant 0.000000e+00 : f32
      %max3A_208 = vector.broadcast %max3A_207 : f32 to vector<16xf32>
      %max3A_209 = arith.maximumf %sub3A, %max3A_208 : vector<16xf32>
      %mul3A_210 = arith.mulf %sub3A, %get3A_144 : vector<16xf32>
      %sub3A_211 = arith.subf %max3A_209, %mul3A_210 : vector<16xf32>
      %abs3A_212 = math.absf %sub3A : vector<16xf32>
      %neg3A_213 = arith.constant 0.000000e+00 : f32
      %neg3A_214 = vector.broadcast %neg3A_213 : f32 to vector<16xf32>
      %neg3A_215 = arith.subf %neg3A_214, %abs3A_212 : vector<16xf32>
      %exp3A_216 = math.exp %neg3A_215 : vector<16xf32>
      %mul3A_217 = arith.constant 0.0304490365 : f32
      %mul3A_218 = vector.broadcast %mul3A_217 : f32 to vector<16xf32>
      %mul3A_219 = arith.mulf %exp3A_216, %mul3A_218 : vector<16xf32>
      %add3A_220 = arith.constant -0.131581962 : f32
      %add3A_221 = vector.broadcast %add3A_220 : f32 to vector<16xf32>
      %add3A_222 = arith.addf %add3A_221, %mul3A_219 : vector<16xf32>
      %mul3A_223 = arith.mulf %exp3A_216, %add3A_222 : vector<16xf32>
      %add3A_224 = arith.constant 0.285272866 : f32
      %add3A_225 = vector.broadcast %add3A_224 : f32 to vector<16xf32>
      %add3A_226 = arith.addf %add3A_225, %mul3A_223 : vector<16xf32>
      %mul3A_227 = arith.mulf %exp3A_216, %add3A_226 : vector<16xf32>
      %add3A_228 = arith.constant -0.490230829 : f32
      %add3A_229 = vector.broadcast %add3A_228 : f32 to vector<16xf32>
      %add3A_230 = arith.addf %add3A_229, %mul3A_227 : vector<16xf32>
      %mul3A_231 = arith.mulf %exp3A_216, %add3A_230 : vector<16xf32>
      %add3A_232 = arith.constant 0.99923551 : f32
      %add3A_233 = vector.broadcast %add3A_232 : f32 to vector<16xf32>
      %add3A_234 = arith.addf %add3A_233, %mul3A_231 : vector<16xf32>
      %mul3A_235 = arith.mulf %exp3A_216, %add3A_234 : vector<16xf32>
      %add3A_236 = arith.constant 9.97375355E-6 : f32
      %add3A_237 = vector.broadcast %add3A_236 : f32 to vector<16xf32>
      %add3A_238 = arith.addf %add3A_237, %mul3A_235 : vector<16xf32>
      %add3A_239 = arith.addf %sub3A_211, %add3A_238 : vector<16xf32>
      %add3A_240 = arith.addf %scan3A_134, %add3A_239 : vector<16xf32>
      scf.yield %add3A_240 : vector<16xf32>
    }
    %scan3A_116 = arith.constant 32 : i32
    %dma_start3A_117 = tpu.memref_slice %arg7[%mul3A_2] : memref<16384xf32, #tpu.memory_space<hbm>> -> memref<512xf32, #tpu.memory_space<hbm>>
    %dma_start3A_118 = tpu.memref_slice %arg7[%mul3A_2] : memref<16384xf32, #tpu.memory_space<hbm>> -> memref<512xf32, #tpu.memory_space<hbm>>
    tpu.enqueue_dma source(%arg14 : memref<512xf32, #tpu.memory_space<vmem>>) target(%dma_start3A_118 : memref<512xf32, #tpu.memory_space<hbm>>) target_semaphore(%arg28 : memref<!tpu.dma_semaphore, #tpu.memory_space<semaphore_mem>>)
    %mul3A_119 = arith.constant 6.10351563E-5 : f32
    %mul3A_120 = vector.broadcast %mul3A_119 : f32 to vector<16xf32>
    %mul3A_121 = arith.mulf %scan3A_115, %mul3A_120 : vector<16xf32>
    %swap3A = arith.constant 0 : index
    %swap3A_122 = tpu.vector_load %arg15[%swap3A] {strides = array<i32>} : memref<16xf32, #tpu.memory_space<vmem>>, vector<16xf32>,
    %swap3A_123 = vector.shape_cast %swap3A_122 : vector<16xf32> to vector<16xf32>
    %swap3A_124 = vector.shape_cast %mul3A_121 : vector<16xf32> to vector<16xf32>
    tpu.vector_store %arg15[%swap3A], %swap3A_124 {strides = array<i32>} : memref<16xf32, #tpu.memory_space<vmem>>, vector<16xf32>,
    %mul3A_125 = arith.constant 16 : i32
    %mul3A_126 = arith.muli %add3A, %mul3A_125 : i32
    %dma_start3A_127 = tpu.memref_slice %arg8[%mul3A_126] : memref<512xf32, #tpu.memory_space<hbm>> -> memref<16xf32, #tpu.memory_space<hbm>>
    %dma_start3A_128 = tpu.memref_slice %arg8[%mul3A_126] : memref<512xf32, #tpu.memory_space<hbm>> -> memref<16xf32, #tpu.memory_space<hbm>>
    tpu.enqueue_dma source(%arg15 : memref<16xf32, #tpu.memory_space<vmem>>) target(%dma_start3A_128 : memref<16xf32, #tpu.memory_space<hbm>>) target_semaphore(%arg27 : memref<!tpu.dma_semaphore, #tpu.memory_space<semaphore_mem>>)
    %dma_wait3A_129 = tpu.memref_slice %arg7[%mul3A_2] : memref<16384xf32, #tpu.memory_space<hbm>> -> memref<512xf32, #tpu.memory_space<hbm>>
    %dma_wait3A_130 = tpu.memref_slice %arg7[%mul3A_2] : memref<16384xf32, #tpu.memory_space<hbm>> -> memref<512xf32, #tpu.memory_space<hbm>>
    tpu.wait_dma2 semaphore(%arg28 : memref<!tpu.dma_semaphore, #tpu.memory_space<semaphore_mem>>) src(%arg14 : memref<512xf32, #tpu.memory_space<vmem>>) dst(%dma_wait3A_130 : memref<512xf32, #tpu.memory_space<hbm>>)
    %dma_wait3A_131 = tpu.memref_slice %arg8[%mul3A_126] : memref<512xf32, #tpu.memory_space<hbm>> -> memref<16xf32, #tpu.memory_space<hbm>>
    %dma_wait3A_132 = tpu.memref_slice %arg8[%mul3A_126] : memref<512xf32, #tpu.memory_space<hbm>> -> memref<16xf32, #tpu.memory_space<hbm>>
    tpu.wait_dma2 semaphore(%arg27 : memref<!tpu.dma_semaphore, #tpu.memory_space<semaphore_mem>>) src(%arg15 : memref<16xf32, #tpu.memory_space<vmem>>) dst(%dma_wait3A_132 : memref<16xf32, #tpu.memory_space<hbm>>)
    return
  }
}

</mosaic_0001>

<sc_bundles>
// kernel: kernel.3.cloned.1.call-start
scs
__scs_entry_jumppad:
0x0: {  	(pc) =	sbr.rel $0x88, $3  }
0x1: {  	(tag) =	ssettag $0x0;
	lr =	simm.s32 $0x1  }
0x2: {  	[smem:$0x3F9C] =	sst lr;
	_ =	strace $0xD0000000  }
0x3: {  	_ = 	snop  }
0x4: {  	_ = 	snop  }
0x5: {  	_ = 	snop  }
0x6: {  	_ = 	snop  }
0x7: {  	_ = 	snop  }
__scs_overlays_trampoline_lowered:
0x8: {  	[smem:$0x3FAB] =	sst s0  }
0x9: {  	[smem:$0x3FAC] =	sst s1  }
0xa: {  	[smem:$0x3FAD] =	sst s2  }
0xb: {  	[smem:$0x3FAE] =	sst s3  }
0xc: {  	[smem:$0x3FAF] =	sst s4  }
0xd: {  	[smem:$0x3FB0] =	sst s5  }
0xe: {  	[smem:$0x3FB1] =	sst s6  }
0xf: {  	[smem:$0x3FB2] =	sst s7  }
0x10: {  	[smem:$0x3FB3] =	sst s8  }
0x11: {  	[smem:$0x3FB4] =	sst s9;
	s0 =	simm.s32 @!p0 $0x0  }
0x12: {  	s1 =	sld [smem:$0x3F9A];
	s0 =	simm.s32 @p0 $0x1  }
0x13: {  	[smem:$0x3FB5] =	sst s0;
	s0 =	simm.s32 @!p1 $0x0  }
0x14: {  	s2 =	sld [smem:$0x3F99];
	s0 =	simm.s32 @p1 $0x1  }
0x15: {  	[smem:$0x3FB6] =	sst s0;
	s0 =	simm.s32 @!p2 $0x0  }
0x16: {  	s3 =	sld [smem:$0x3FDB];
	s0 =	simm.s32 @p2 $0x1  }
0x17: {  	s4 =	simm.s32 $0x1BF5;
	[smem:$0x3FB8] =	sst s0  }
0x18: {  	s0 =	sld [smem:$0x3F9B];
	_ =	swait.ge [sflag:s4], $0x0  }
0x19: {  	s7 =	sld [smem:$0x3F9C]  }
0x1a: {  	s8 =	sadd.s32 $0xFFFFE003, lr  }
0x1b: {  	s9 =	sadd.s32 $0xFFFFFEF7, lr;
	s5 =	simm.s32 $0xFFFFFFFF;
	p2 =	slt.u32 s8, $0xFFFFF086  }
0x1c: {  	p1 =	slt.u32 s9, $0xF7A;
	s5 =	simm.s32 @!p2 $0x0  }
0x1d: {  	s5 =	simm.s32 @p1 $0x1;
	p0 =	seq.s32 s7, s2  }
0x1e: {  	s7 =	smul.u32 @!p0 $0xF7A, s2;
	p2 =	seq.s32 @!p0 s5, $0x0  }
0x1f: {  	s9 =	smul.u32 $0xF7A, s1;
	s8 =	simm.s32 @!p0 $0x1BF5;
	p2 =	por !p2, p0  }
0x20: {  	[sflag:s8] =	ssyncset.s32 @!p0 $0xFFFFF086;
	s6 =	sadd.s32 @!p0 s3, s7;
	s7 =	simm.s32 @!p0 $0x108  }
0x21: {  	s3 =	sadd.s32 s3, s9;
	s6 =	sadd.s32 @!p0 $0x88, s6;
	s7 =	simm.s32 @p2 $0x1082  }
0x22: {  	[simem:s7], [sflag:s8] =	dma.local @!p0 [hbm:s6], $0xF7A  }
0x23: {  	s9 =	sor.u32 $0xD0000000, s2;
	s6 =	simm.s32 $0x108;
	_ =	swait.ge @!p0 [sflag:s8], $0x0  }
0x24: {  	s3 =	sadd.s32 $0x88, s3;
	s6 =	simm.s32 @!p1 $0x1082;
	[sflag:s4] =	ssyncset.s32 $0xFFFFF086  }
0x25: {  	[simem:s6], [sflag:s4] =	dma.local [hbm:s3], $0xF7A  }
0x26: {  	[smem:$0x3F9C] =	sst s1;
	(tag) =	ssettag s2;
	_ =	strace s9  }
0x27: {  	s1 =	sld [smem:$0x3FAC]  }
0x28: {  	s2 =	sld [smem:$0x3FAD]  }
0x29: {  	s4 =	sld [smem:$0x3FAF]  }
0x2a: {  	p0 =	seq.s32 s5, $0x0;
	s5 =	sld [smem:$0x3FB0]  }
0x2b: {  	s6 =	sld [smem:$0x3FB1]  }
0x2c: {  	s7 =	sld [smem:$0x3FB2]  }
0x2d: {  	s3 =	simm.s32 $0x108;
	s8 =	sld [smem:$0x3FB3]  }
0x2e: {  	s3 =	simm.s32 @!p0 $0x1082;
	s9 =	sld [smem:$0x3FB4]  }
0x2f: {  	lr =	sadd.s32 s0, s3;
	s0 =	sld [smem:$0x3FAB]  }
0x30: {  	s3 =	sld [smem:$0x3FAE]  }
0x31: {  	[smem:$0x3FB7] =	sst s10  }
0x32: {  	s10 =	sld [smem:$0x3FB5];
	_ =	sdelay $0x3  }
0x33: {  	p0 =	seq.s32 s10, $0x1;
	s10 =	sld [smem:$0x3FB7];
	_ =	sdelay $0x3  }
0x34: {  	[smem:$0x3FB7] =	sst s10  }
0x35: {  	s10 =	sld [smem:$0x3FB6];
	_ =	sdelay $0x3  }
0x36: {  	p1 =	seq.s32 s10, $0x1;
	s10 =	sld [smem:$0x3FB7];
	_ =	sdelay $0x3  }
0x37: {  	[smem:$0x3FB7] =	sst s10  }
0x38: {  	s10 =	sld [smem:$0x3FB8]  }
0x39: {  	_ = 	snop;
	(pc) =	sbr.ind lr, $3  }
0x3a: {  	_ = 	snop  }
0x3b: {  	_ = 	snop  }
0x3c: {  	p2 =	seq.s32 s10, $0x1;
	s10 =	sld [smem:$0x3FB7]  }
0x3d: {  	_ =	shalt  }
0x3e: {  	_ =	shalt  }
0x3f: {  	_ =	shalt  }
0x40: {  	_ =	shalt  }
0x41: {  	_ =	shalt  }
0x42: {  	_ =	shalt  }
0x43: {  	_ =	shalt  }
0x44: {  	_ =	shalt  }
0x45: {  	_ =	shalt  }
0x46: {  	_ =	shalt  }
0x47: {  	_ =	shalt  }
0x48: {  	_ =	shalt  }
0x49: {  	_ =	shalt  }
0x4a: {  	_ =	shalt  }
0x4b: {  	_ =	shalt  }
0x4c: {  	_ =	shalt  }
0x4d: {  	_ =	shalt  }
0x4e: {  	_ =	shalt  }
0x4f: {  	_ =	shalt  }
0x50: {  	_ =	shalt  }
0x51: {  	_ =	shalt  }
0x52: {  	_ =	shalt  }
0x53: {  	_ =	shalt  }
0x54: {  	_ =	shalt  }
0x55: {  	_ =	shalt  }
0x56: {  	_ =	shalt  }
0x57: {  	_ =	shalt  }
0x58: {  	_ =	shalt  }
0x59: {  	_ =	shalt  }
0x5a: {  	_ =	shalt  }
0x5b: {  	_ =	shalt  }
0x5c: {  	_ =	shalt  }
0x5d: {  	_ =	shalt  }
0x5e: {  	_ =	shalt  }
0x5f: {  	_ =	shalt  }
0x60: {  	_ =	shalt  }
0x61: {  	_ =	shalt  }
0x62: {  	_ =	shalt  }
0x63: {  	_ =	shalt  }
0x64: {  	_ =	shalt  }
0x65: {  	_ =	shalt  }
0x66: {  	_ =	shalt  }
0x67: {  	_ =	shalt  }
0x68: {  	_ =	shalt  }
0x69: {  	_ =	shalt  }
0x6a: {  	_ =	shalt  }
0x6b: {  	_ =	shalt  }
0x6c: {  	_ =	shalt  }
0x6d: {  	_ =	shalt  }
0x6e: {  	_ =	shalt  }
0x6f: {  	_ =	shalt  }
0x70: {  	_ =	shalt  }
0x71: {  	_ =	shalt  }
0x72: {  	_ =	shalt  }
0x73: {  	_ =	shalt  }
0x74: {  	_ =	shalt  }
0x75: {  	_ =	shalt  }
0x76: {  	_ =	shalt  }
0x77: {  	_ =	shalt  }
0x78: {  	_ =	shalt  }
0x79: {  	_ =	shalt  }
0x7a: {  	_ =	shalt  }
0x7b: {  	_ =	shalt  }
0x7c: {  	_ =	shalt  }
0x7d: {  	_ =	shalt  }
0x7e: {  	_ =	shalt  }
0x7f: {  	_ =	shalt  }
0x80: {  	_ =	shalt  }
0x81: {  	_ =	shalt  }
0x82: {  	_ =	shalt  }
0x83: {  	_ =	shalt  }
0x84: {  	_ =	shalt  }
0x85: {  	_ =	shalt  }
0x86: {  	_ =	shalt  }
0x87: {  	_ =	shalt  }
.Lfunc_end0:
.L_simem_size_0:
called_computation_lowered:
.L_overlay_start_0:
0x88: {  	s2 =	sld [smem:$0x3FD9]  }
0x89: {  	s3 =	sld [smem:$0x3FFE];
	_ =	sdelay $0x1  }
0x8a: {  	s1 =	srdreg.scid  }
0x8b: {  	s0 =	sand.u32 $0x1, s1  }
0x8c: {  	s14 =	sshll.u32 s0, $0xA;
	s2 =	sadd.s32 s3, s2  }
0x8d: {  	s2 =	sadd.s32 s2, s14  }
0x8e: {  	[smem:$0x3FC3] =	sst s2  }
0x8f: {  	_ = 	snop  }
0x90: {  	s2 =	sld [smem:$0x3FC9]  }
0x91: {  	s15 =	sld [smem:$0x3FC8]  }
0x92: {  	s4 =	sld [smem:$0x3FD0]  }
0x93: {  	s5 =	sld [smem:$0x3FC7]  }
0x94: {  	s6 =	sld [smem:$0x3FC6]  }
0x95: {  	s8 =	simm.s32 $0xA;
	s9 =	simm.s32 $0x10;
	s7 =	sld [smem:$0x3FC5]  }
0x96: {  	[smem:s9], [sflag:s8] =	dma.local [hbm:s4], $0x1  }
0x97: {  	_ =	swait.eq [sflag:s8], $0x1  }
0x98: {  	[sflag:s8] =	ssyncset.done $0x0  }
0x99: {  	[sflag:s8] =	ssyncadd.s32 $0xFFFFFFFF  }
0x9a: {  	s16 =	sld [smem:$0x11];
	(tm) =	ssettm $0x1  }
0x9b: {  	s17 =	sld [smem:$0x3FFB];
	_ =	sdelay $0x3  }
0x9c: {  	_ =	strace s17  }
0x9d: {  	s8 =	sld [smem:$0x3FFC];
	_ =	sdelay $0x3  }
0x9e: {  	_ =	strace s8  }
0x9f: {  	s8 =	sld [smem:$0x3FFD];
	_ =	sdelay $0x3  }
0xa0: {  	_ =	strace s8  }
0xa1: {  	_ =	strace $0x8FFFFFFF  }
0xa2: {  	s18 =	sld [smem:$0x3FDB];
	_ =	sdelay $0x1  }
0xa3: {  	s19 =	simm.s32 $_scs_section_size  }
0xa4: {  	s10 =	simm.s32 $_size__tile_overlayer_lowered;
	s11 =	simm.s32 $_tile_overlayer_lowered  }
0xa5: {  	s22 =	simm.s32 $0x1BFF;
	s21 =	sshll.u32 s11, $0x1;
	s8 =	sadd.s32 s19, s18  }
0xa6: {  	s12 =	simm.s32 $0x0;
	s20 =	sshll.u32 s10, $0x1;
	s10 =	sadd.s32 s21, s8  }
0xa7: {  	[timem:s12], [sflag:s22] =	dma.local [hbm:s10], s20  }
0xa8: {  	_ =	swait.ge [sflag:s22], s20  }
0xa9: {  	s9 =	ssub.s32 $0x0, s20;
	[sflag:s22] =	ssyncset.done $0x0  }
0xaa: {  	[sflag:s22] =	ssyncadd.s32 s9;
	_ =	sdelay $0x1  }
0xab: {  	s23 =	simm.s32 $0x1B8B  }
0xac: {  	_ =	swait.ge [sflag:s23], $0x1  }
0xad: {  	[sflag:s23] =	ssyncset.done $0x0  }
0xae: {  	s25 =	simm.s32 $0x1B8E;
	s24 =	sld [smem:$0x3FFE];
	[sflag:s23] =	ssyncadd.s32 $0xFFFFFFFF  }
0xaf: {  	s26 =	simm.s32 $execute0_lowered;
	[smem:$0x3FD2] =	sst s25  }
0xb0: {  	s10 =	sshll.u32 s26, $0x1;
	_ =	strace $0x80000046;
	[dreg:$0x1] =	wrdreg $0xFFFFFFFF  }
0xb1: {  	s28 =	simm.s32 $_size_execute0_lowered;
	s8 =	sadd.s32 s8, s10;
	[dreg:$0x0] =	wrdreg $0x0  }
0xb2: {  	s10 =	sshll.u32 s28, $0x1;
	[dreg:$0x2] =	wrdreg s8  }
0xb3: {  	[dreg:$0x3] =	wrdreg s10  }
0xb4: {  	[dreg:$0x4] =	wrdreg $0xC0  }
0xb5: {  	_ =	task [dreg:s12], $0x5FFFF  }
0xb6: {  	[dreg:$0x1] =	wrdreg $0xFFFFFFFF  }
0xb7: {  	[dreg:$0x0] =	wrdreg $0x60  }
0xb8: {  	[dreg:$0x2] =	wrdreg s2  }
0xb9: {  	[dreg:$0x3] =	wrdreg s15  }
0xba: {  	[dreg:$0x4] =	wrdreg s5  }
0xbb: {  	[dreg:$0x5] =	wrdreg s6  }
0xbc: {  	[dreg:$0x6] =	wrdreg s7  }
0xbd: {  	[dreg:$0x7] =	wrdreg s16  }
0xbe: {  	[dreg:$0x8] =	wrdreg s24  }
0xbf: {  	[dreg:$0x9] =	wrdreg $0xC800  }
0xc0: {  	[dreg:$0xa] =	wrdreg $0x9  }
0xc1: {  	_ =	task.clear_ibuf [dreg:s12], $0xBFFFF;
	_ =	strace $0x90000046  }
0xc2: {  	s29 =	simm.s32 $0x9;
	_ =	strace $0x80000048  }
0xc3: {  	_ =	swait.ge [sflag:s29], $0x1  }
0xc4: {  	[sflag:s29] =	ssyncadd.s32 $0xFFFFFFFF  }
0xc5: {  	_ =	strace $0x90000048  }
0xc6: {  	_ =	sfence  }
0xc7: {  	s30 =	sld [smem:$0x0];
	_ =	sdelay $0x2  }
0xc8: {  	s31 =	sshll.u32 s1, $0xD;
	s1 =	sshrl.u32 s1, $0x2  }
0xc9: {  	s3 =	sand.u32 $0x4000, s31;
	s1 =	sadd.s32 s1, s30  }
0xca: {  	s0 =	sor.u32 s3, s0;
	s1 =	sshll.u32 s1, $0x11  }
0xcb: {  	s0 =	sor.u32 s1, s0  }
0xcc: {  	s0 =	sadd.s32 $0x8F2B, s0  }
0xcd: {  	[sflag:s0] =	ssyncadd.remote.s32 $0x1  }
0xce: {  	_ =	sfence.sel $0xFFFF  }
0xcf: {  	[dreg:$0x0] =	wrdreg $0xFFFFFFFF;
	(pc) =	sbr.abs _section_cstart, $3  }
0xd0: {  	[dreg:$0x1] =	wrdreg $0xFFFFFFFF  }
0xd1: {  	_ =	task.clear_ibuf [dreg:s12], $0x2FFFF;
	_ =	strace $0x9FFFFFFF  }
0xd2: {  	(tm) =	ssettm $0x7FFFFFFF  }
0xd3: {  	_ =	shalt  }
tec
execute0_lowered:
.L_overlay_start_1:
0x0: {  	(tag) =	ssettag $0x1  }
0x1: {  	s1 =	rddreg [dreg:$0x0]  }
0x2: {  	s2 =	rddreg [dreg:$0x1]  }
0x3: {  	s7 =	rddreg [dreg:$0x2]  }
0x4: {  	s0 =	rddreg [dreg:$0x3]  }
0x5: {  	s8 =	rddreg [dreg:$0x5]  }
0x6: {  	s5 =	rddreg [dreg:$0x6]  }
0x7: {  	s3 =	rddreg [dreg:$0x7];
	s4 =	srdreg.scid  }
0x8: {  	s10 =	stileid.u32;
	s13 =	simm.s32 $0x9;
	s14 =	simm.s32 $0x80  }
0x9: {  	s21 =	simm.s32 $0xA;
	s31 =	simm.s32 $0xB;
	s15 =	simm.s32 $0x2  }
0xa: {  	s16 =	simm.s32 $0x6;
	s17 =	simm.s32 $0x3;
	s18 =	simm.s32 $0x7  }
0xb: {  	s19 =	simm.s32 $0x4;
	s20 =	simm.s32 $0x8;
	s24 =	simm.s32 $0xC  }
0xc: {  	s25 =	simm.s32 $0x0;
	s6 =	sand.u32 $0x1, s4;
	s4 =	simm.s32 $0x0  }
0xd: {  	p0 =	sne.s32 s10, $0x0;
	s9 =	sshll.u32 s6, $0x4;
	[smem:$0x7FF] =	sst s4  }
0xe: {  	s6 =	ssub.s32 $0x2, s6;
	s9 =	sor.u32 s10, s9;
	_ =	strace $0x80000047  }
0xf: {  	s12 =	sshrl.u32 s6, $0x1;
	s11 =	sshll.u32 s9, $0x1;
	s9 =	sshll.u32 s9, $0x6  }
0x10: {  	s12 =	ssub.s32 s6, s12;
	s11 =	sadd.s32 s11, s5;
	s5 =	sadd.s32 s1, s9  }
0x11: {  	s6 =	sadd.s32 s2, s9;
	s7 =	sadd.s32 s7, s9;
	s8 =	sadd.s32 s8, s9  }
0x12: {  	s10 =	smax.u32 s12, $0x1;
	s12 =	sshrl.u32 @!p0 s3, $0x3;
	s1 =	simm.s32 $0x1  }
0x13: {  	s2 =	simm.s32 $0x5;
	s9 =	sadd.s32 $0x400, s11;
	s11 =	simm.s32 $0x200  }
.LBB2_1:
0x14: {  	[tilespmem:s4], [sflag:$0x9] =	stream.linear.gather [hbm4b:s5+s4], $0x200, $0x38;
	[tilespmem:$0x24F0] =	vst v63  }
0x15: {  	s22 =	simm.s32 @!p0 $0x1C0D;
	s23 =	rddreg [dreg:$0x4]  }
0x16: {  	[tilespmem:s11], [sflag:$0xA] =	stream.linear.gather [hbm4b:s6+s4], $0x200, $0x38;
	[tilespmem:$0x24F0] =	vst v63  }
0x17: {  	[spmem:s12], [sflag:s22] =	dma.local @!p0 [hbm:s23], $0x30E0  }
0x18: {  	s22 =	simm.s32 @!p0 $0xD  }
0x19: {  	_ =	swait.ge @!p0 [sflag:s22], $0x30E0  }
0x1a: {  	[sflag:s22] =	ssyncset.done @!p0 $0x0  }
0x1b: {  	[sflag:s22] =	ssyncadd.s32 @!p0 $0xFFFFCF20  }
0x1c: {  	_ =	swait.ge [sflag:s13], $0x200  }
0x1d: {  	[sflag:s13] =	ssyncset.done $0x0  }
0x1e: {  	s23 =	simm.s32 $0x400;
	[sflag:s13] =	ssyncadd.s32 $0xFFFFFE00  }
0x1f: {  	[tilespmem:s23], [sflag:$0x1] =	stream.indirect.gather [hbm4b:s0+s14], $0x1, s4, s14, $0xb8;
	[tilespmem:$0x24F0] =	vst v63  }
0x20: {  	s26 =	simm.s32 $0x480  }
0x21: {  	[tilespmem:s26], [sflag:$0x2] =	stream.indirect.gather [hbm4b:s0+s14], $0x1, s14, s14, $0xb8;
	[tilespmem:$0x24F0] =	vst v63  }
0x22: {  	s23 =	simm.s32 $0x100;
	s26 =	simm.s32 $0x500  }
0x23: {  	[tilespmem:s26], [sflag:$0x3] =	stream.indirect.gather [hbm4b:s0+s14], $0x1, s23, s14, $0xb8;
	[tilespmem:$0x24F0] =	vst v63  }
0x24: {  	s23 =	simm.s32 $0x180;
	s26 =	simm.s32 $0x580  }
0x25: {  	[tilespmem:s26], [sflag:$0x4] =	stream.indirect.gather [hbm4b:s0+s14], $0x1, s23, s14, $0xb8;
	[tilespmem:$0x24F0] =	vst v63  }
0x26: {  	_ =	swait.ge [sflag:s21], $0x200  }
0x27: {  	[sflag:s21] =	ssyncset.done $0x0  }
0x28: {  	[sflag:s21] =	ssyncadd.s32 $0xFFFFFE00  }
0x29: {  	s26 =	simm.s32 $0x600;
	[bflag:$0x0] =	sbarrier.arrive $0xFFFF  }
0x2a: {  	[tilespmem:s26], [sflag:$0x5] =	stream.indirect.gather [spmem:s3], $0x1, s11, s14, $0xb8;
	[tilespmem:$0x24F0] =	vst v63  }
0x2b: {  	s23 =	simm.s32 $0x280;
	s26 =	simm.s32 $0x680  }
0x2c: {  	[tilespmem:s26], [sflag:$0x6] =	stream.indirect.gather [spmem:s3], $0x1, s23, s14, $0xb8;
	[tilespmem:$0x24F0] =	vst v63  }
0x2d: {  	s23 =	simm.s32 $0x300;
	s26 =	simm.s32 $0x700  }
0x2e: {  	[tilespmem:s26], [sflag:$0x7] =	stream.indirect.gather [spmem:s3], $0x1, s23, s14, $0xb8;
	[tilespmem:$0x24F0] =	vst v63  }
0x2f: {  	s23 =	simm.s32 $0x380;
	s26 =	simm.s32 $0x780  }
0x30: {  	[tilespmem:s26], [sflag:$0x8] =	stream.indirect.gather [spmem:s3], $0x1, s23, s14, $0xb8;
	[tilespmem:$0x24F0] =	vst v63  }
0x31: {  	s26 =	simm.s32 $0x800  }
0x32: {  	[tilespmem:s26], [sflag:$0xB] =	stream.linear.gather [hbm4b:s7+s4], $0x200, $0x38;
	[tilespmem:$0x24F0] =	vst v63  }
0x33: {  	_ =	swait.ge [sflag:s31], $0x200  }
0x34: {  	[sflag:s31] =	ssyncset.done $0x0  }
0x35: {  	[sflag:s31] =	ssyncadd.s32 $0xFFFFFE00  }
0x36: {  	_ =	swait.ge [sflag:s1], $0x80  }
0x37: {  	[sflag:s1] =	ssyncset.done $0x0  }
0x38: {  	[sflag:s1] =	ssyncadd.s32 $0xFFFFFF80  }
0x39: {  	_ =	swait.ge [sflag:s2], $0x80  }
0x3a: {  	[sflag:s2] =	ssyncset.done $0x0  }
0x3b: {  	[sflag:s2] =	ssyncadd.s32 $0xFFFFFF80  }
0x3c: {  	_ =	swait.ge [sflag:s15], $0x80  }
0x3d: {  	[sflag:s15] =	ssyncset.done $0x0  }
0x3e: {  	[sflag:s15] =	ssyncadd.s32 $0xFFFFFF80  }
0x3f: {  	_ =	swait.ge [sflag:s16], $0x80  }
0x40: {  	[sflag:s16] =	ssyncset.done $0x0  }
0x41: {  	[sflag:s16] =	ssyncadd.s32 $0xFFFFFF80  }
0x42: {  	_ =	swait.ge [sflag:s17], $0x80  }
0x43: {  	[sflag:s17] =	ssyncset.done $0x0  }
0x44: {  	[sflag:s17] =	ssyncadd.s32 $0xFFFFFF80  }
0x45: {  	_ =	swait.ge [sflag:s18], $0x80  }
0x46: {  	[sflag:s18] =	ssyncset.done $0x0  }
0x47: {  	[sflag:s18] =	ssyncadd.s32 $0xFFFFFF80  }
0x48: {  	_ =	swait.ge [sflag:s19], $0x80  }
0x49: {  	[sflag:s19] =	ssyncset.done $0x0  }
0x4a: {  	[sflag:s19] =	ssyncadd.s32 $0xFFFFFF80  }
0x4b: {  	_ =	swait.ge [sflag:s20], $0x80  }
0x4c: {  	[sflag:s20] =	ssyncset.done $0x0  }
0x4d: {  	s23 =	simm.s32 $0x0;
	[sflag:s20] =	ssyncadd.s32 $0xFFFFFF80  }
0x4e: {  	v0 =	vld [tilespmem:s23+$0x400]  }
0x4f: {  	v1 =	vld [tilespmem:s23+$0x600];
	_ =	sdelay $0x3  }
0x50: {  	v2 =	vand.u32 $0x7FFFFFFF, v0  }
0x51: {  	v3 =	vand.u32 $0x7FFFFFFF, v1;
	v2 =	vsub.f32 $0.0e+00, v2  }
0x52: {  	v3 =	vsub.f32 $0.0e+00, v3  }
0x53: {  	v2 =	vmul.f32 $1.442695020e+00, v2  }
0x54: {  	v3 =	vmul.f32 $1.442695020e+00, v3  }
0x55: {  	(erf) = vpow2.f32 v2  }
0x56: {  	(erf) = vpow2.f32 v3;
	_ =	sdelay $0x5  }
0x57: {  	s26 =	simm.s32 $0x10  }
0x58: {  	v2 =	vld [tilespmem:s26+$0x400]  }
0x59: {  	v3 =	vpop (erf)  }
0x5a: {  	v7 =	vld [tilespmem:s26+$0x600];
	v5 =	vpop (erf)  }
0x5b: {  	v4 =	vmul.f32 $3.044903650e-02, v3;
	v6 =	vmul.f32 $3.044903650e-02, v5;
	_ =	sdelay $0x1  }
0x5c: {  	v8 =	vand.u32 $0x7FFFFFFF, v2;
	v4 =	vadd.f32 $-1.315819620e-01, v4;
	v6 =	vadd.f32 $-1.315819620e-01, v6  }
0x5d: {  	v8 =	vsub.f32 $0.0e+00, v8  }
0x5e: {  	v9 =	vand.u32 $0x7FFFFFFF, v7;
	v4 =	vmul.f32 v4, v3;
	v6 =	vmul.f32 v6, v5  }
0x5f: {  	v9 =	vsub.f32 $0.0e+00, v9;
	v8 =	vmul.f32 $1.442695020e+00, v8  }
0x60: {  	v4 =	vadd.f32 $2.852728660e-01, v4;
	v6 =	vadd.f32 $2.852728660e-01, v6  }
0x61: {  	v9 =	vmul.f32 $1.442695020e+00, v9;
	(erf) = vpow2.f32 v8  }
0x62: {  	v4 =	vmul.f32 v4, v3;
	v6 =	vmul.f32 v6, v5  }
0x63: {  	(erf) = vpow2.f32 v9  }
0x64: {  	v4 =	vadd.f32 $-4.902308290e-01, v4;
	v6 =	vadd.f32 $-4.902308290e-01, v6;
	_ =	sdelay $0x1  }
0x65: {  	v4 =	vmul.f32 v4, v3;
	v6 =	vmul.f32 v6, v5;
	_ =	sdelay $0x1  }
0x66: {  	s28 =	simm.s32 $0x20;
	v8 =	vadd.f32 $9.992355100e-01, v4;
	v6 =	vadd.f32 $9.992355100e-01, v6  }
0x67: {  	v13 =	vld [tilespmem:s28+$0x400]  }
0x68: {  	v11 =	vpop (erf);
	v4 =	vld [tilespmem:s28+$0x600];
	v3 =	vmul.f32 v8, v3;
	v5 =	vmul.f32 v6, v5  }
0x69: {  	v6 =	vmul.f32 $3.044903650e-02, v11  }
0x6a: {  	v0 =	vmax.f32 v0, $0.0e+00;
	v8 =	vpop (erf);
	v3 =	vadd.f32 $9.973753550e-06, v3;
	v5 =	vadd.f32 $9.973753550e-06, v5  }
0x6b: {  	v1 =	vmax.f32 v1, $0.0e+00;
	v6 =	vadd.f32 $-1.315819620e-01, v6;
	v9 =	vmul.f32 $3.044903650e-02, v8  }
0x6c: {  	v10 =	vand.u32 $0x7FFFFFFF, v13;
	v0 =	vadd.f32 v3, v0;
	v1 =	vadd.f32 v5, v1  }
0x6d: {  	v3 =	vand.u32 $0x7FFFFFFF, v4;
	v5 =	vsub.f32 $0.0e+00, v10;
	v9 =	vadd.f32 $-1.315819620e-01, v9  }
0x6e: {  	v3 =	vsub.f32 $0.0e+00, v3;
	v6 =	vmul.f32 v6, v11  }
0x6f: {  	s29 =	simm.s32 $0x30;
	v0 =	vsub.f32 v0, v1;
	v1 =	vmul.f32 $1.442695020e+00, v5;
	v5 =	vmul.f32 v9, v8  }
0x70: {  	v3 =	vmul.f32 $1.442695020e+00, v3;
	v9 =	vadd.f32 $2.852728660e-01, v6;
	v6 =	vld [tilespmem:s29+$0x400]  }
0x71: {  	v10 =	vand.u32 $0x7FFFFFFF, v0;
	(erf) = vpow2.f32 v1;
	v1 =	vadd.f32 $2.852728660e-01, v5;
	v5 =	vld [tilespmem:s29+$0x600]  }
0x72: {  	v10 =	vsub.f32 $0.0e+00, v10;
	(erf) = vpow2.f32 v3  }
0x73: {  	v3 =	vmul.f32 v9, v11;
	v1 =	vmul.f32 v1, v8  }
0x74: {  	v9 =	vmul.f32 $1.442695020e+00, v10  }
0x75: {  	v3 =	vadd.f32 $-4.902308290e-01, v3;
	v1 =	vadd.f32 $-4.902308290e-01, v1  }
0x76: {  	(erf) = vpow2.f32 v9;
	v9 =	vand.u32 $0x7FFFFFFF, v6;
	v10 =	vand.u32 $0x7FFFFFFF, v5  }
0x77: {  	v3 =	vmul.f32 v3, v11;
	v1 =	vmul.f32 v1, v8;
	v9 =	vsub.f32 $0.0e+00, v9;
	_ =	sdelay $0x1  }
0x78: {  	v3 =	vadd.f32 $9.992355100e-01, v3;
	v1 =	vadd.f32 $9.992355100e-01, v1  }
0x79: {  	v12 =	vsub.f32 $0.0e+00, v10;
	v14 =	vmul.f32 $1.442695020e+00, v9;
	v10 =	vpop (erf)  }
0x7a: {  	v3 =	vmul.f32 v3, v11;
	v9 =	vpop (erf);
	v1 =	vmul.f32 v1, v8  }
0x7b: {  	v8 =	vmul.f32 $3.044903650e-02, v10;
	v11 =	vmul.f32 $3.044903650e-02, v9  }
0x7c: {  	v7 =	vmax.f32 v7, $0.0e+00;
	v15 =	vadd.f32 $9.973753550e-06, v3;
	v1 =	vadd.f32 $9.973753550e-06, v1  }
0x7d: {  	v2 =	vmax.f32 v2, $0.0e+00;
	v8 =	vadd.f32 $-1.315819620e-01, v8;
	v11 =	vadd.f32 $-1.315819620e-01, v11  }
0x7e: {  	v12 =	vmul.f32 $1.442695020e+00, v12;
	v2 =	vadd.f32 v15, v2;
	v3 =	vpop (erf);
	v1 =	vadd.f32 v1, v7  }
0x7f: {  	s30 =	simm.s32 $0x40;
	[tilespmem:s23+$0xA00] =	vst v0;
	(erf) = vpow2.f32 v14;
	v15 =	vmul.f32 $3.044903650e-02, v3  }
0x80: {  	v7 =	vld [tilespmem:s30+$0x400];
	v16 =	vmul.f32 v8, v10;
	v11 =	vmul.f32 v11, v9;
	v1 =	vsub.f32 v2, v1  }
0x81: {  	v8 =	vld [tilespmem:s30+$0x600];
	(erf) = vpow2.f32 v12;
	v2 =	vadd.f32 $-1.315819620e-01, v15  }
0x82: {  	v12 =	vadd.f32 $2.852728660e-01, v16;
	v11 =	vadd.f32 $2.852728660e-01, v11;
	v14 =	vand.u32 $0x7FFFFFFF, v1  }
0x83: {  	v15 =	vmul.f32 v2, v3;
	v14 =	vsub.f32 $0.0e+00, v14  }
0x84: {  	v12 =	vmul.f32 v12, v10;
	v11 =	vmul.f32 v11, v9  }
0x85: {  	v16 =	vand.u32 $0x7FFFFFFF, v7;
	v15 =	vadd.f32 $2.852728660e-01, v15;
	v14 =	vmul.f32 $1.442695020e+00, v14  }
0x86: {  	v17 =	vand.u32 $0x7FFFFFFF, v8;
	v12 =	vadd.f32 $-4.902308290e-01, v12;
	v11 =	vadd.f32 $-4.902308290e-01, v11  }
0x87: {  	v16 =	vsub.f32 $0.0e+00, v16;
	v15 =	vmul.f32 v15, v3;
	(erf) = vpow2.f32 v14  }
0x88: {  	v17 =	vsub.f32 $0.0e+00, v17;
	v18 =	vmul.f32 v12, v10;
	v11 =	vmul.f32 v11, v9  }
0x89: {  	[tilespmem:s26+$0xA00] =	vst v1;
	v2 =	vimm.f32 $0.0e+00;
	v16 =	vmul.f32 $1.442695020e+00, v16;
	v21 =	vadd.f32 $-4.902308290e-01, v15  }
0x8a: {  	v12 =	vpop (erf);
	v19 =	vadd.f32 $9.992355100e-01, v18;
	v15 =	vmul.f32 $1.442695020e+00, v17;
	v18 =	vadd.f32 $9.992355100e-01, v11;
	v11 =	vld [tilespmem:s23+$0x800]  }
0x8b: {  	s22 =	simm.s32 $0x140;
	v14 =	vpop (erf);
	v20 =	vmul.f32 $3.044903650e-02, v12;
	v17 =	vmax.f32 v13, $0.0e+00;
	v13 =	vmul.f32 v21, v3  }
.LBB2_2:
0x8c: {  	p1 =	sne.s32 s22, $0x7C0;
	v19 =	vmul.f32 v19, v10;
	v21 =	vmax.f32 v4, $0.0e+00;
	v18 =	vmul.f32 v18, v9;
	v4 =	vmovc v5;
	v5 =	vmovc v8  }
0x8d: {  	v10 =	vmovc v12;
	v9 =	vmovc v14;
	v8 =	vadd.f32 $-1.315819620e-01, v20;
	v20 =	vmul.f32 $3.044903650e-02, v14;
	v13 =	vadd.f32 $9.992355100e-01, v13  }
0x8e: {  	(erf) = vpow2.f32 v16;
	v12 =	vadd.f32 $9.973753550e-06, v19;
	v14 =	vadd.f32 $9.973753550e-06, v18  }
0x8f: {  	v16 =	vadd.f32 $-1.315819620e-01, v20;
	v11 =	vmul.f32 v0, v11;
	v13 =	vmul.f32 v13, v3  }
0x90: {  	v18 =	vmax.f32 v0, $0.0e+00;
	v12 =	vadd.f32 v12, v17;
	v14 =	vadd.f32 v14, v21;
	v3 =	vpop (erf)  }
0x91: {  	s23 =	sshra.s32 s22, $0x2;
	v0 =	vmovc v1;
	v17 =	vmul.f32 $3.044903650e-02, v3;
	v11 =	vsub.f32 v18, v11;
	v13 =	vadd.f32 $9.973753550e-06, v13  }
0x92: {  	v18 =	vmul.f32 v8, v10;
	v16 =	vmul.f32 v16, v9;
	v21 =	vld [tilespmem:s23+$0x400];
	v1 =	vsub.f32 v12, v14  }
0x93: {  	v8 =	vld [tilespmem:s23+$0x600];
	(erf) = vpow2.f32 v15;
	v12 =	vadd.f32 $-1.315819620e-01, v17;
	v11 =	vadd.f32 v13, v11  }
0x94: {  	v13 =	vadd.f32 $2.852728660e-01, v18;
	v14 =	vadd.f32 $2.852728660e-01, v16;
	[tilespmem:s28+$0xA00] =	vst v1;
	v15 =	vand.u32 $0x7FFFFFFF, v1  }
0x95: {  	v15 =	vsub.f32 $0.0e+00, v15;
	v16 =	vmul.f32 v12, v3;
	v2 =	vadd.f32 v11, v2  }
0x96: {  	v11 =	vmul.f32 v13, v10;
	v13 =	vmul.f32 v14, v9  }
0x97: {  	v14 =	vand.u32 $0x7FFFFFFF, v21;
	v12 =	vpop (erf);
	v15 =	vmul.f32 $1.442695020e+00, v15;
	v16 =	vadd.f32 $2.852728660e-01, v16  }
0x98: {  	v11 =	vadd.f32 $-4.902308290e-01, v11;
	v13 =	vadd.f32 $-4.902308290e-01, v13;
	v17 =	vand.u32 $0x7FFFFFFF, v8  }
.Ltmp0:
0x99: {  	v18 =	vsub.f32 $0.0e+00, v14;
	(erf) = vpow2.f32 v15;
	v15 =	vmul.f32 v16, v3;
	(pc) =	sbr.rel @p1 .LBB2_2-.Ltmp0, $4  }
0x9a: {  	v17 =	vsub.f32 $0.0e+00, v17;
	v11 =	vmul.f32 v11, v10;
	v13 =	vmul.f32 v13, v9  }
0x9b: {  	v16 =	vmul.f32 $1.442695020e+00, v18;
	v22 =	vadd.f32 $-4.902308290e-01, v15  }
0x9c: {  	v15 =	vmul.f32 $1.442695020e+00, v17;
	v19 =	vadd.f32 $9.992355100e-01, v11;
	v18 =	vadd.f32 $9.992355100e-01, v13;
	v14 =	vpop (erf);
	v11 =	vld [tilespmem:s26+$0x800];
	s26 =	smov.u32 s28;
	s28 =	smov.u32 s29;
	s29 =	smov.u32 s30  }
0x9d: {  	s22 =	sadd.s32 $0x40, s22;
	v20 =	vmul.f32 $3.044903650e-02, v12;
	v17 =	vmax.f32 v6, $0.0e+00;
	v6 =	vmovc v7;
	v7 =	vmovc v21;
	s30 =	smov.u32 s23;
	v13 =	vmul.f32 v22, v3  }
0x9e: {  	(erf) = vpow2.f32 v16  }
0x9f: {  	(erf) = vpow2.f32 v15;
	_ =	sdelay $0x6  }
0xa0: {  	v10 =	vmul.f32 v19, v10;
	v54 =	vmul.f32 $3.044903650e-02, v14;
	v55 =	vpop (erf)  }
0xa1: {  	v9 =	vmul.f32 v18, v9;
	v57 =	vadd.f32 $-1.315819620e-01, v20;
	v56 =	vpop (erf)  }
0xa2: {  	v10 =	vadd.f32 $9.973753550e-06, v10;
	v15 =	vadd.f32 $-1.315819620e-01, v54;
	v58 =	vpop (erf)  }
0xa3: {  	v9 =	vadd.f32 $9.973753550e-06, v9;
	v59 =	vmul.f32 $3.044903650e-02, v56;
	v21 =	vmul.f32 $3.044903650e-02, v58  }
0xa4: {  	v18 =	vmul.f32 v57, v12;
	v10 =	vadd.f32 v10, v17;
	v15 =	vmul.f32 v15, v14  }
0xa5: {  	v17 =	vadd.f32 $-1.315819620e-01, v59;
	v21 =	vadd.f32 $-1.315819620e-01, v21  }
0xa6: {  	v18 =	vadd.f32 $2.852728660e-01, v18;
	v15 =	vadd.f32 $2.852728660e-01, v15  }
0xa7: {  	v4 =	vmax.f32 v4, $0.0e+00;
	v17 =	vmul.f32 v17, v56;
	v21 =	vmul.f32 v21, v58  }
0xa8: {  	v4 =	vadd.f32 v9, v4;
	v60 =	vmul.f32 v18, v12;
	v15 =	vmul.f32 v15, v14  }
0xa9: {  	v17 =	vadd.f32 $2.852728660e-01, v17;
	v61 =	vadd.f32 $2.852728660e-01, v21  }
0xaa: {  	v9 =	vadd.f32 $-4.902308290e-01, v60;
	v15 =	vadd.f32 $-4.902308290e-01, v15  }
0xab: {  	v17 =	vmul.f32 v17, v56;
	v18 =	vmul.f32 v61, v58  }
0xac: {  	v4 =	vsub.f32 v10, v4;
	v9 =	vmul.f32 v9, v12;
	v62 =	vmul.f32 v15, v14  }
0xad: {  	v63 =	vadd.f32 $-4.902308290e-01, v17;
	v21 =	vadd.f32 $-4.902308290e-01, v18  }
0xae: {  	v9 =	vadd.f32 $9.992355100e-01, v9;
	v10 =	vadd.f32 $9.992355100e-01, v62  }
0xaf: {  	v15 =	vmul.f32 v63, v56;
	v17 =	vmul.f32 v21, v58  }
0xb0: {  	v9 =	vmul.f32 v9, v12;
	v10 =	vmul.f32 v10, v14  }
0xb1: {  	v23 =	vadd.f32 $9.992355100e-01, v15;
	v24 =	vadd.f32 $9.992355100e-01, v17  }
0xb2: {  	v6 =	vmax.f32 v6, $0.0e+00;
	v9 =	vadd.f32 $9.973753550e-06, v9;
	v10 =	vadd.f32 $9.973753550e-06, v10  }
0xb3: {  	v5 =	vmax.f32 v5, $0.0e+00;
	v12 =	vmul.f32 v23, v56;
	v14 =	vmul.f32 v24, v58  }
0xb4: {  	v27 =	vmax.f32 v7, $0.0e+00;
	v6 =	vadd.f32 v9, v6;
	v5 =	vadd.f32 v10, v5  }
0xb5: {  	v22 =	vand.u32 $0x7FFFFFFF, v4;
	v25 =	vadd.f32 $9.973753550e-06, v12;
	v26 =	vadd.f32 $9.973753550e-06, v14  }
0xb6: {  	v28 =	vmax.f32 v8, $0.0e+00;
	v18 =	vsub.f32 $0.0e+00, v22;
	v5 =	vsub.f32 v6, v5  }
0xb7: {  	v6 =	vadd.f32 v25, v27;
	v7 =	vadd.f32 v26, v28;
	_ =	sdelay $0x1  }
0xb8: {  	v29 =	vmul.f32 $1.442695020e+00, v18;
	v30 =	vand.u32 $0x7FFFFFFF, v5;
	v6 =	vsub.f32 v6, v7  }
0xb9: {  	v9 =	vsub.f32 $0.0e+00, v30  }
0xba: {  	(erf) = vpow2.f32 v29;
	v32 =	vand.u32 $0x7FFFFFFF, v6  }
0xbb: {  	v31 =	vmul.f32 $1.442695020e+00, v9;
	v8 =	vsub.f32 $0.0e+00, v32;
	_ =	sdelay $0x1  }
0xbc: {  	(erf) = vpow2.f32 v31;
	v33 =	vmul.f32 $1.442695020e+00, v8;
	_ =	sdelay $0x1  }
0xbd: {  	(erf) = vpow2.f32 v33;
	_ =	sdelay $0x2  }
0xbe: {  	v34 =	vmul.f32 $3.044903650e-02, v55  }
0xbf: {  	v35 =	vpop (erf)  }
0xc0: {  	v7 =	vadd.f32 $-1.315819620e-01, v34;
	v36 =	vmul.f32 $3.044903650e-02, v35;
	_ =	sdelay $0x1  }
0xc1: {  	v7 =	vmul.f32 v7, v55;
	v9 =	vadd.f32 $-1.315819620e-01, v36;
	v37 =	vpop (erf)  }
0xc2: {  	v42 =	vmax.f32 v0, $0.0e+00;
	v39 =	vmul.f32 $3.044903650e-02, v37  }
0xc3: {  	v38 =	vadd.f32 $9.992355100e-01, v13;
	v7 =	vadd.f32 $2.852728660e-01, v7;
	v9 =	vmul.f32 v9, v35;
	v41 =	vpop (erf)  }
0xc4: {  	v11 =	vmul.f32 v0, v11;
	[tilespmem:s28+$0xA00] =	vst v4;
	v40 =	vadd.f32 $-1.315819620e-01, v39;
	v43 =	vmul.f32 $3.044903650e-02, v41  }
0xc5: {  	v3 =	vmul.f32 v38, v3;
	v45 =	vld [tilespmem:s26+$0x800];
	v7 =	vmul.f32 v7, v55;
	v9 =	vadd.f32 $2.852728660e-01, v9  }
0xc6: {  	v0 =	vsub.f32 v42, v11;
	v44 =	vmul.f32 v40, v37;
	v14 =	vadd.f32 $-1.315819620e-01, v43  }
0xc7: {  	v3 =	vadd.f32 $9.973753550e-06, v3;
	v7 =	vadd.f32 $-4.902308290e-01, v7;
	v9 =	vmul.f32 v9, v35  }
0xc8: {  	v52 =	vmax.f32 v1, $0.0e+00;
	[tilespmem:s29+$0xA00] =	vst v5;
	v11 =	vadd.f32 $2.852728660e-01, v44;
	v47 =	vmul.f32 v14, v41  }
0xc9: {  	v0 =	vadd.f32 v3, v0;
	v48 =	vld [tilespmem:s28+$0x800];
	v7 =	vmul.f32 v7, v55;
	v46 =	vadd.f32 $-4.902308290e-01, v9  }
0xca: {  	v51 =	vmul.f32 v1, v45;
	v11 =	vmul.f32 v11, v37;
	v50 =	vadd.f32 $2.852728660e-01, v47  }
0xcb: {  	v0 =	vadd.f32 v0, v2;
	v7 =	vadd.f32 $9.992355100e-01, v7;
	v49 =	vmul.f32 v46, v35  }
0xcc: {  	v1 =	vsub.f32 v52, v51;
	v57 =	vld [tilespmem:s30+$0x800];
	[tilespmem:s30+$0xA00] =	vst v6;
	v11 =	vadd.f32 $-4.902308290e-01, v11;
	v3 =	vmul.f32 v50, v41  }
0xcd: {  	v59 =	vmax.f32 v5, $0.0e+00;
	v53 =	vld [tilespmem:s29+$0x800];
	v7 =	vmul.f32 v7, v55;
	v2 =	vadd.f32 $9.992355100e-01, v49  }
0xce: {  	v55 =	vmul.f32 v4, v48;
	v54 =	vmul.f32 v11, v37;
	v3 =	vadd.f32 $-4.902308290e-01, v3  }
0xcf: {  	v4 =	vmax.f32 v4, $0.0e+00;
	v7 =	vadd.f32 $9.973753550e-06, v7;
	v2 =	vmul.f32 v2, v35  }
0xd0: {  	v4 =	vsub.f32 v4, v55;
	v56 =	vadd.f32 $9.992355100e-01, v54;
	v3 =	vmul.f32 v3, v41  }
0xd1: {  	v61 =	vmul.f32 v6, v57;
	v1 =	vadd.f32 v7, v1;
	v2 =	vadd.f32 $9.973753550e-06, v2  }
0xd2: {  	v58 =	vmul.f32 v5, v53;
	v7 =	vmul.f32 v56, v37;
	v3 =	vadd.f32 $9.992355100e-01, v3  }
0xd3: {  	v62 =	vmax.f32 v6, $0.0e+00;
	v0 =	vadd.f32 v1, v0;
	v2 =	vadd.f32 v2, v4  }
0xd4: {  	v1 =	vsub.f32 v59, v58;
	v60 =	vadd.f32 $9.973753550e-06, v7;
	v3 =	vmul.f32 v3, v41  }
0xd5: {  	v0 =	vadd.f32 v2, v0;
	v2 =	vsub.f32 v62, v61  }
0xd6: {  	v1 =	vadd.f32 v60, v1;
	v3 =	vadd.f32 $9.973753550e-06, v3;
	_ =	sdelay $0x1  }
0xd7: {  	v0 =	vadd.f32 v1, v0;
	v63 =	vadd.f32 v3, v2;
	_ =	sdelay $0x1  }
0xd8: {  	v0 =	vadd.f32 v63, v0;
	_ =	sdelay $0x1  }
0xd9: {  	s22 =	simm.s32 $0xA00;
	v0 =	vmul.f32 $6.103515630e-05, v0  }
0xda: {  	[hbm4b:s8+s4] =	stream.linear.scatter [tilespmem:s22], [sflag:$0xC], $0x200, $0x38;
	[tilespmem:$0x24F0] =	vst v63  }
0xdb: {  	s25 =	sadd.s32 $0x1, s25;
	s30 =	simm.s32 $0xC00;
	[tilespmem:$0xC00] =	vst v0  }
0xdc: {  	[hbm4b:s9+s4] =	stream.linear.scatter [tilespmem:s30], [sflag:$0xB], $0x10, $0x38;
	[tilespmem:$0x24F0] =	vst v63  }
0xdd: {  	p1 =	sne.s32 s25, s10;
	_ =	swait.ge [sflag:s24], $0x200  }
.Ltmp1:
0xde: {  	[sflag:s24] =	ssyncset.done $0x0;
	(pc) =	sbr.rel @p1 .LBB2_1-.Ltmp1, $4  }
0xdf: {  	[sflag:s24] =	ssyncadd.s32 $0xFFFFFE00  }
0xe0: {  	_ =	swait.ge [sflag:s31], $0x10  }
0xe1: {  	[sflag:s31] =	ssyncset.done $0x0  }
0xe2: {  	[sflag:s31] =	ssyncadd.s32 $0xFFFFFFF0  }
0xe3: {  	_ =	sfence.sel $0x180000  }
0xe4: {  	[bflag:$0x0] =	sbarrier.arrive $0xFFFF  }
0xe5: {  	_ =	strace $0x90000047  }
0xe6: {  	[bflag:$0x2] =	sbarrier.arrive $0xFFFF  }
0xe7: {  	s0 =	rddreg [dreg:$0x8]  }
0xe8: {  	s0 =	sadd.s32 @!p0 $0x100000, s0  }
0xe9: {  	[sflag:s0] =	ssyncadd.tile.s32 @!p0 $0x1;
	_ =	shalt  }
.Lfunc_end2:
_tile_overlayer_lowered:
.L_overlay_start_2:
0xea: {  	(tag) =	ssettag $0x2  }
0xeb: {  	s0 =	rddreg [dreg:$0x0];
	s2 =	stileid.u32  }
0xec: {  	s1 =	rddreg [dreg:$0x1];
	p0 =	sne.s32 s2, $0x0  }
0xed: {  	s3 =	rddreg [dreg:$0x2];
	[bflag:$0x3] =	sbarrier.arrive $0xFFFF;
	s2 =	simm.s32 @!p0 $0x1C0D  }
0xee: {  	[timem:s3], [sflag:s2] =	dma.local @!p0 [hbm:s0], s1  }
0xef: {  	s0 =	simm.s32 @!p0 $0xD  }
0xf0: {  	_ =	swait.ge @!p0 [sflag:s0], s1  }
0xf1: {  	s1 =	ssub.s32 @!p0 $0x0, s1;
	[sflag:s0] =	ssyncset.done @!p0 $0x0  }
0xf2: {  	[sflag:s0] =	ssyncadd.s32 @!p0 s1  }
0xf3: {  	[bflag:$0x3] =	sbarrier.arrive $0xFFFF  }
0xf4: {  	_ =	shalt  }

</sc_bundles>
